<compile_context>
chip_gen: v7x
topology: tpu7x:2x2x1
jax: 0.10.2.dev20260603
libtpu: 0.0.44.dev20260713+nightly
codegen_flags: <defaults>
</compile_context>

<pallas_src>
import functools

import jax
import jax.numpy as jnp
from jax import lax
from jax.experimental import pallas as pl
from jax.experimental.pallas import tpu as pltpu
from jax.experimental.pallas import tpu_sc as plsc

N_FIELDS = 26
B = 16384
VOCAB = 100000
D = 16
IN_DIM = 10
HID = 128
FD = N_FIELDS * D

NC = 2
NS = 16
NW = NC * NS
FPT = 13
CH = 4096
NCH = B // CH
VL = 16


def _sc_body(z_hbm, tbl_hbm, out_hbm, plane_v, idx_v, obuf_v, sem_p, sem_o):
    wid = lax.axis_index("s") * NC + lax.axis_index("c")
    d = wid % NS
    f0 = (wid // NS) * FPT

    def field(j, carry):
        f = f0 + j
        cp_p = pltpu.async_copy(tbl_hbm.at[f, d], plane_v, sem_p)
        cp_i = pltpu.async_copy(z_hbm.at[f], idx_v, sem_p)
        cp_p.wait()
        cp_i.wait()

        def chunk(c, carry2):
            @pl.when(jnp.logical_or(c >= 2, j > 0))
            def _():
                pltpu.make_async_copy(
                    obuf_v.at[c % 2], out_hbm.at[0, 0, pl.ds(0, CH)],
                    sem_o).wait()

            def vec(i, carry3):
                idx = idx_v[pl.ds(c * CH + i * VL, VL)]
                obuf_v[c % 2, pl.ds(i * VL, VL)] = plsc.load_gather(
                    plane_v, [idx])
                return carry3

            lax.fori_loop(0, CH // VL, vec, 0, unroll=16)
            pltpu.async_copy(
                obuf_v.at[c % 2], out_hbm.at[f, d, pl.ds(c * CH, CH)], sem_o)
            return carry2

        lax.fori_loop(0, NCH, chunk, 0)
        return carry

    lax.fori_loop(0, FPT, field, 0)
    pltpu.make_async_copy(
        obuf_v.at[0], out_hbm.at[0, 0, pl.ds(0, CH)], sem_o).wait()
    pltpu.make_async_copy(
        obuf_v.at[1], out_hbm.at[0, 0, pl.ds(0, CH)], sem_o).wait()


_sc_gather = functools.partial(
    pl.kernel,
    out_type=jax.ShapeDtypeStruct((N_FIELDS, NS, B), jnp.float32),
    mesh=plsc.VectorSubcoreMesh(core_axis_name="c", subcore_axis_name="s"),
    compiler_params=pltpu.CompilerParams(
        use_tc_tiling_on_sc=True, needs_layout_passes=False,
        disable_bounds_checks=True),
    scratch_types=[
        pltpu.VMEM((VOCAB,), jnp.float32),
        pltpu.VMEM((B,), jnp.int32),
        pltpu.VMEM((2, CH), jnp.float32),
        pltpu.SemaphoreType.DMA,
        pltpu.SemaphoreType.DMA,
    ],
)(_sc_body)


BLK = 2048


def _mlp_body(mg_ref, lg_ref, e_ref, xt_ref, w1x_ref, w1z_ref, b1_ref,
              w2_ref, b2_ref, o_ref):
    m = mg_ref[...].reshape(FD, BLK)
    l = lg_ref[...].reshape(FD, BLK)
    e = e_ref[...].reshape(FD, BLK)
    z = m + jnp.exp(l * 0.5) * e
    h = lax.dot_general(w1z_ref[...], z, (((0,), (0,)), ((), ())),
                        preferred_element_type=jnp.float32)
    h = h + lax.dot_general(w1x_ref[...], xt_ref[...], (((0,), (0,)), ((), ())),
                            preferred_element_type=jnp.float32)
    h = jnp.maximum(h + b1_ref[...], 0.0)
    o_ref[...] = (jnp.sum(h * w2_ref[...], axis=0, keepdims=True)
                  + b2_ref[...])


def kernel(X, y, Z, eps, W_mean, W_log_var, W1, b1, W2, b2):
    wmT = W_mean.transpose(0, 2, 1)
    wlvT = W_log_var.transpose(0, 2, 1)
    mg = _sc_gather(Z, wmT)
    lg = _sc_gather(Z, wlvT)

    epsT = eps.transpose(0, 2, 1)
    xT = X.transpose(1, 0)

    w1x = W1[:IN_DIM]
    w1z = W1[IN_DIM:]
    out = pl.pallas_call(
        _mlp_body,
        grid=(B // BLK,),
        in_specs=[
            pl.BlockSpec((N_FIELDS, D, BLK), lambda i: (0, 0, i)),
            pl.BlockSpec((N_FIELDS, D, BLK), lambda i: (0, 0, i)),
            pl.BlockSpec((N_FIELDS, D, BLK), lambda i: (0, 0, i)),
            pl.BlockSpec((IN_DIM, BLK), lambda i: (0, i)),
            pl.BlockSpec((IN_DIM, HID), lambda i: (0, 0)),
            pl.BlockSpec((FD, HID), lambda i: (0, 0)),
            pl.BlockSpec((HID, 1), lambda i: (0, 0)),
            pl.BlockSpec((HID, 1), lambda i: (0, 0)),
            pl.BlockSpec((1, 1), lambda i: (0, 0)),
        ],
        out_specs=pl.BlockSpec((1, BLK), lambda i: (0, i)),
        out_shape=jax.ShapeDtypeStruct((1, B), jnp.float32),
    )(mg, lg, epsT, xT, w1x, w1z, b1.reshape(HID, 1), W2, b2.reshape(1, 1))
    return out.reshape(B, 1)

# --- scband reference (transcript-rebuilt; emitter-appended) ---
"""Pipeline reference for scband-regbeddings-mlp-55448027791820 (READ-ONLY COPY).

The authoritative reference and input builder live on the scoring server;
editing this copy changes nothing except your own understanding.
"""

import jax, jax.numpy as jnp
import numpy as np

N_FIELDS = 26
B = 16384
VOCAB = 100000
D = 16
IN_DIM = 10
HID = 128


def setup_inputs(seed: int = 0) -> dict:
    key = jax.random.key(seed)
    ks = jax.random.split(key, 10)
    X = jax.random.normal(ks[0], (B, IN_DIM), dtype=jnp.float32)
    y = jax.random.normal(ks[1], (B, 1), dtype=jnp.float32)
    Z = jax.random.randint(ks[2], (N_FIELDS, B), 0, VOCAB, dtype=jnp.int32)
    eps = jax.random.normal(ks[3], (N_FIELDS, B, D), dtype=jnp.float32)
    # learned parameters: per-field mean and log-var embedding tables
    W_mean = jax.random.normal(ks[4], (N_FIELDS, VOCAB, D), dtype=jnp.float32) * 0.05
    W_log_var = jax.random.normal(ks[5], (N_FIELDS, VOCAB, D), dtype=jnp.float32) * 0.05 - 3.0
    # decoder MLP params (EmbeddingsDecoder: concat[X, regbeddings] -> hidden -> scalar)
    W1 = jax.random.normal(ks[6], (IN_DIM + N_FIELDS * D, HID), dtype=jnp.float32) * 0.05
    b1 = jnp.zeros((HID,), dtype=jnp.float32)
    W2 = jax.random.normal(ks[7], (HID, 1), dtype=jnp.float32) * 0.05
    b2 = jnp.zeros((1,), dtype=jnp.float32)
    return {"X": X, "y": y, "Z": Z, "eps": eps, "W_mean": W_mean,
            "W_log_var": W_log_var, "W1": W1, "b1": b1, "W2": W2, "b2": b2}


def reference(X, y, Z, eps, W_mean, W_log_var, W1, b1, W2, b2):
    # RegbeddingsEncoder: per-field embedding gathers (mean and log_var tables)
    means = jax.vmap(lambda w, z: jnp.take(w, z, axis=0))(W_mean, Z)        # [F, B, D]
    log_vars = jax.vmap(lambda w, z: jnp.take(w, z, axis=0))(W_log_var, Z)  # [F, B, D]
    # Sampling (reparameterization): z = mean + exp(0.5*log_var) * eps
    regbeddings = means + jnp.exp(0.5 * log_vars) * eps                     # [F, B, D]
    # EmbeddingsDecoder: concat X with all regbeddings, 2-layer MLP -> scalar
    z_cat = jnp.transpose(regbeddings, (1, 0, 2)).reshape(B, N_FIELDS * D)  # [B, F*D]
    h = jax.nn.relu(jnp.concatenate([X, z_cat], axis=1) @ W1 + b1)
    out = h @ W2 + b2                                                       # [B, 1]
    return out

if __name__ == "__main__":
    import jax
    _d = setup_inputs()
    print(jax.jit(kernel)(*tuple(_d.values())))

</pallas_src>

<mosaic_0001>
#map = affine_map<(d0, d1) -> (0, 0)>
#map1 = affine_map<(d0, d1) -> (0, 0, 0)>
module attributes {stable_mosaic.version = 14 : i64} {
  func.func @_sc_body(%arg0: i32, %arg1: i32, %arg2: memref<26x16384xi32, #tpu.memory_space<hbm>>, %arg3: memref<26x16x100000xf32, #tpu.memory_space<hbm>>, %arg4: memref<26x16x16384xf32, #tpu.memory_space<hbm>>, %arg5: memref<100000xf32, #tpu.memory_space<vmem>>, %arg6: memref<16384xi32, #tpu.memory_space<vmem>>, %arg7: memref<2x4096xf32, #tpu.memory_space<vmem>>, %arg8: memref<!tpu.dma_semaphore, #tpu.memory_space<semaphore_mem>>, %arg9: memref<!tpu.dma_semaphore, #tpu.memory_space<semaphore_mem>>) attributes {dimension_semantics = [#tpu.dimension_semantics<core_parallel>, #tpu.dimension_semantics<subcore_parallel>], iteration_bounds = array<i64: 2, 16>, scalar_prefetch = 0 : i64, scratch_operands = 5 : i64, tpu.core_type = #tpu.core_type<sc_vector_subcore>, window_params = [{transform_indices = #map}, {transform_indices = #map1}, {transform_indices = #map1}]} {
    %mul3A = arith.constant 2 : i32
    %mul3A_0 = arith.muli %arg1, %mul3A : i32
    %add3A = arith.addi %mul3A_0, %arg0 : i32
    %jit3A = arith.constant 16 : i32
    %eq3A = arith.constant 0 : i32
    %eq3A_1 = arith.cmpi eq, %jit3A, %eq3A : i32
    %jit3A_2 = arith.constant 1 : i32
    %select_n3A = arith.select %eq3A_1, %jit3A_2, %jit3A : i32
    %rem3A = arith.remsi %add3A, %select_n3A : i32
    %ne3A = arith.constant 0 : i32
    %ne3A_3 = arith.cmpi ne, %rem3A, %ne3A : i32
    %lt3A = arith.constant 0 : i32
    %lt3A_4 = arith.cmpi slt, %rem3A, %lt3A : i32
    %lt3A_5 = arith.constant 0 : i32
    %lt3A_6 = arith.cmpi slt, %select_n3A, %lt3A_5 : i32
    %ne3A_7 = arith.xori %lt3A_4, %lt3A_6 : i1
    %and3A = arith.andi %ne3A_7, %ne3A_3 : i1
    %add3A_8 = arith.addi %rem3A, %select_n3A : i32
    %select_n3A_9 = arith.select %and3A, %add3A_8, %rem3A : i32
    %jit3A_10 = arith.constant 16 : i32
    %div3A = arith.divsi %add3A, %jit3A_10 : i32
    %sign3A = arith.constant 0 : i32
    %sign3A_11 = arith.cmpi sgt, %add3A, %sign3A : i32
    %sign3A_12 = arith.extui %sign3A_11 : i1 to i32
    %sign3A_13 = arith.constant 0 : i32
    %sign3A_14 = arith.cmpi slt, %add3A, %sign3A_13 : i32
    %sign3A_15 = arith.extui %sign3A_14 : i1 to i32
    %sign3A_16 = arith.subi %sign3A_12, %sign3A_15 : i32
    %sign3A_17 = arith.constant 0 : i32
    %sign3A_18 = arith.cmpi sgt, %jit3A_10, %sign3A_17 : i32
    %sign3A_19 = arith.extui %sign3A_18 : i1 to i32
    %sign3A_20 = arith.constant 0 : i32
    %sign3A_21 = arith.cmpi slt, %jit3A_10, %sign3A_20 : i32
    %sign3A_22 = arith.extui %sign3A_21 : i1 to i32
    %sign3A_23 = arith.subi %sign3A_19, %sign3A_22 : i32
    %ne3A_24 = arith.cmpi ne, %sign3A_16, %sign3A_23 : i32
    %rem3A_25 = arith.remsi %add3A, %jit3A_10 : i32
    %ne3A_26 = arith.constant 0 : i32
    %ne3A_27 = arith.cmpi ne, %rem3A_25, %ne3A_26 : i32
    %and3A_28 = arith.andi %ne3A_24, %ne3A_27 : i1
    %sub3A = arith.constant 1 : i32
    %sub3A_29 = arith.subi %div3A, %sub3A : i32
    %select_n3A_30 = arith.select %and3A_28, %sub3A_29, %div3A : i32
    %mul3A_31 = arith.constant 13 : i32
    %mul3A_32 = arith.muli %select_n3A_30, %mul3A_31 : i32
    %scan3A = arith.constant 0 : i32
    %scan3A_33 = arith.constant 0 : i32
    %scan3A_34 = arith.constant 13 : i32
    %scan3A_35 = arith.addi %scan3A_33, %scan3A_34 : i32
    %scan3A_36 = arith.constant 1 : i32
    scf.for %scan3A_67 = %scan3A_33 to %scan3A_35 step %scan3A_36  : i32 {
      %add3A_68 = arith.addi %mul3A_32, %scan3A_67 : i32
      %dma_start3A = arith.constant 0 : i32
      %dma_start3A_69 = tpu.memref_slice %arg3[%add3A_68, %select_n3A_9, %dma_start3A] : memref<26x16x100000xf32, #tpu.memory_space<hbm>> -> memref<1x1x100000xf32, #tpu.memory_space<hbm>>
      %dma_start3A_70 = tpu.memref_squeeze %dma_start3A_69 : memref<1x1x100000xf32, #tpu.memory_space<hbm>> -> memref<100000xf32, #tpu.memory_space<hbm>>
      %dma_start3A_71 = arith.constant 0 : i32
      %dma_start3A_72 = tpu.memref_slice %arg3[%add3A_68, %select_n3A_9, %dma_start3A_71] : memref<26x16x100000xf32, #tpu.memory_space<hbm>> -> memref<1x1x100000xf32, #tpu.memory_space<hbm>>
      %dma_start3A_73 = tpu.memref_squeeze %dma_start3A_72 : memref<1x1x100000xf32, #tpu.memory_space<hbm>> -> memref<100000xf32, #tpu.memory_space<hbm>>
      tpu.enqueue_dma source(%dma_start3A_73 : memref<100000xf32, #tpu.memory_space<hbm>>) target(%arg5 : memref<100000xf32, #tpu.memory_space<vmem>>) target_semaphore(%arg8 : memref<!tpu.dma_semaphore, #tpu.memory_space<semaphore_mem>>)
      %dma_start3A_74 = arith.constant 0 : i32
      %dma_start3A_75 = tpu.memref_slice %arg2[%add3A_68, %dma_start3A_74] : memref<26x16384xi32, #tpu.memory_space<hbm>> -> memref<1x16384xi32, #tpu.memory_space<hbm>>
      %dma_start3A_76 = tpu.memref_squeeze %dma_start3A_75 : memref<1x16384xi32, #tpu.memory_space<hbm>> -> memref<16384xi32, #tpu.memory_space<hbm>>
      %dma_start3A_77 = arith.constant 0 : i32
      %dma_start3A_78 = tpu.memref_slice %arg2[%add3A_68, %dma_start3A_77] : memref<26x16384xi32, #tpu.memory_space<hbm>> -> memref<1x16384xi32, #tpu.memory_space<hbm>>
      %dma_start3A_79 = tpu.memref_squeeze %dma_start3A_78 : memref<1x16384xi32, #tpu.memory_space<hbm>> -> memref<16384xi32, #tpu.memory_space<hbm>>
      tpu.enqueue_dma source(%dma_start3A_79 : memref<16384xi32, #tpu.memory_space<hbm>>) target(%arg6 : memref<16384xi32, #tpu.memory_space<vmem>>) target_semaphore(%arg8 : memref<!tpu.dma_semaphore, #tpu.memory_space<semaphore_mem>>)
      %dma_wait3A_80 = arith.constant 0 : i32
      %dma_wait3A_81 = tpu.memref_slice %arg3[%add3A_68, %select_n3A_9, %dma_wait3A_80] : memref<26x16x100000xf32, #tpu.memory_space<hbm>> -> memref<1x1x100000xf32, #tpu.memory_space<hbm>>
      %dma_wait3A_82 = tpu.memref_squeeze %dma_wait3A_81 : memref<1x1x100000xf32, #tpu.memory_space<hbm>> -> memref<100000xf32, #tpu.memory_space<hbm>>
      %dma_wait3A_83 = arith.constant 0 : i32
      %dma_wait3A_84 = tpu.memref_slice %arg3[%add3A_68, %select_n3A_9, %dma_wait3A_83] : memref<26x16x100000xf32, #tpu.memory_space<hbm>> -> memref<1x1x100000xf32, #tpu.memory_space<hbm>>
      %dma_wait3A_85 = tpu.memref_squeeze %dma_wait3A_84 : memref<1x1x100000xf32, #tpu.memory_space<hbm>> -> memref<100000xf32, #tpu.memory_space<hbm>>
      tpu.wait_dma2 semaphore(%arg8 : memref<!tpu.dma_semaphore, #tpu.memory_space<semaphore_mem>>) src(%dma_wait3A_85 : memref<100000xf32, #tpu.memory_space<hbm>>) dst(%arg5 : memref<100000xf32, #tpu.memory_space<vmem>>)
      %dma_wait3A_86 = arith.constant 0 : i32
      %dma_wait3A_87 = tpu.memref_slice %arg2[%add3A_68, %dma_wait3A_86] : memref<26x16384xi32, #tpu.memory_space<hbm>> -> memref<1x16384xi32, #tpu.memory_space<hbm>>
      %dma_wait3A_88 = tpu.memref_squeeze %dma_wait3A_87 : memref<1x16384xi32, #tpu.memory_space<hbm>> -> memref<16384xi32, #tpu.memory_space<hbm>>
      %dma_wait3A_89 = arith.constant 0 : i32
      %dma_wait3A_90 = tpu.memref_slice %arg2[%add3A_68, %dma_wait3A_89] : memref<26x16384xi32, #tpu.memory_space<hbm>> -> memref<1x16384xi32, #tpu.memory_space<hbm>>
      %dma_wait3A_91 = tpu.memref_squeeze %dma_wait3A_90 : memref<1x16384xi32, #tpu.memory_space<hbm>> -> memref<16384xi32, #tpu.memory_space<hbm>>
      tpu.wait_dma2 semaphore(%arg8 : memref<!tpu.dma_semaphore, #tpu.memory_space<semaphore_mem>>) src(%dma_wait3A_91 : memref<16384xi32, #tpu.memory_space<hbm>>) dst(%arg6 : memref<16384xi32, #tpu.memory_space<vmem>>)
      %scan3A_92 = arith.constant 0 : i32
      %scan3A_93 = arith.constant 0 : i32
      %scan3A_94 = arith.constant 4 : i32
      %scan3A_95 = arith.addi %scan3A_93, %scan3A_94 : i32
      %scan3A_96 = arith.constant 1 : i32
      scf.for %scan3A_98 = %scan3A_93 to %scan3A_95 step %scan3A_96  : i32 {
        %ge3A = arith.constant 2 : i32
        %ge3A_99 = arith.cmpi sge, %scan3A_98, %ge3A : i32
        %gt3A = arith.constant 0 : i32
        %gt3A_100 = arith.cmpi sgt, %scan3A_67, %gt3A : i32
        %or3A = arith.ori %ge3A_99, %gt3A_100 : i1
        %convert_element_type3A = arith.extui %or3A : i1 to i32
        %cond3A = arith.constant 0 : i32
        %cond3A_101 = arith.cmpi ne, %convert_element_type3A, %cond3A : i32
        scf.if %cond3A_101 {
          %jit3A_136 = arith.constant 2 : i32
          %eq3A_137 = arith.constant 0 : i32
          %eq3A_138 = arith.cmpi eq, %jit3A_136, %eq3A_137 : i32
          %jit3A_139 = arith.constant 1 : i32
          %select_n3A_140 = arith.select %eq3A_138, %jit3A_139, %jit3A_136 : i32
          %rem3A_141 = arith.remsi %scan3A_98, %select_n3A_140 : i32
          %ne3A_142 = arith.constant 0 : i32
          %ne3A_143 = arith.cmpi ne, %rem3A_141, %ne3A_142 : i32
          %lt3A_144 = arith.constant 0 : i32
          %lt3A_145 = arith.cmpi slt, %rem3A_141, %lt3A_144 : i32
          %lt3A_146 = arith.constant 0 : i32
          %lt3A_147 = arith.cmpi slt, %select_n3A_140, %lt3A_146 : i32
          %ne3A_148 = arith.xori %lt3A_145, %lt3A_147 : i1
          %and3A_149 = arith.andi %ne3A_148, %ne3A_143 : i1
          %add3A_150 = arith.addi %rem3A_141, %select_n3A_140 : i32
          %select_n3A_151 = arith.select %and3A_149, %add3A_150, %rem3A_141 : i32
          %dma_wait3A_152 = arith.constant 0 : i32
          %dma_wait3A_153 = arith.constant 0 : i32
          %dma_wait3A_154 = arith.constant 0 : i32
          %dma_wait3A_155 = tpu.memref_slice %arg7[%select_n3A_151, %dma_wait3A_154] : memref<2x4096xf32, #tpu.memory_space<vmem>> -> memref<1x4096xf32, #tpu.memory_space<vmem>>
          %dma_wait3A_156 = tpu.memref_squeeze %dma_wait3A_155 : memref<1x4096xf32, #tpu.memory_space<vmem>> -> memref<4096xf32, #tpu.memory_space<vmem>>
          %dma_wait3A_157 = arith.constant 0 : i32
          %dma_wait3A_158 = tpu.memref_slice %arg4[%dma_wait3A_152, %dma_wait3A_153, %dma_wait3A_157] : memref<26x16x16384xf32, #tpu.memory_space<hbm>> -> memref<1x1x4096xf32, #tpu.memory_space<hbm>>
          %dma_wait3A_159 = tpu.memref_squeeze %dma_wait3A_158 : memref<1x1x4096xf32, #tpu.memory_space<hbm>> -> memref<4096xf32, #tpu.memory_space<hbm>>
          %dma_wait3A_160 = arith.constant 0 : i32
          %dma_wait3A_161 = tpu.memref_slice %arg4[%dma_wait3A_152, %dma_wait3A_153, %dma_wait3A_160] : memref<26x16x16384xf32, #tpu.memory_space<hbm>> -> memref<1x1x4096xf32, #tpu.memory_space<hbm>>
          %dma_wait3A_162 = tpu.memref_squeeze %dma_wait3A_161 : memref<1x1x4096xf32, #tpu.memory_space<hbm>> -> memref<4096xf32, #tpu.memory_space<hbm>>
          %dma_wait3A_163 = arith.constant 0 : i32
          %dma_wait3A_164 = tpu.memref_slice %arg7[%select_n3A_151, %dma_wait3A_163] : memref<2x4096xf32, #tpu.memory_space<vmem>> -> memref<1x4096xf32, #tpu.memory_space<vmem>>
          %dma_wait3A_165 = tpu.memref_squeeze %dma_wait3A_164 : memref<1x4096xf32, #tpu.memory_space<vmem>> -> memref<4096xf32, #tpu.memory_space<vmem>>
          tpu.wait_dma2 semaphore(%arg9 : memref<!tpu.dma_semaphore, #tpu.memory_space<semaphore_mem>>) src(%dma_wait3A_165 : memref<4096xf32, #tpu.memory_space<vmem>>) dst(%dma_wait3A_162 : memref<4096xf32, #tpu.memory_space<hbm>>)
        } else {
        }
        %scan3A_102 = arith.constant 0 : i32
        %scan3A_103 = arith.constant 0 : i32
        %scan3A_104 = arith.constant 256 : i32
        %scan3A_105 = arith.addi %scan3A_103, %scan3A_104 : i32
        %scan3A_106 = arith.constant 16 : i32
        scf.for %scan3A_136 = %scan3A_103 to %scan3A_105 step %scan3A_106  : i32 {
          %mul3A_137 = arith.constant 4096 : i32
          %mul3A_138 = arith.muli %scan3A_98, %mul3A_137 : i32
          %mul3A_139 = arith.constant 16 : i32
          %mul3A_140 = arith.muli %scan3A_136, %mul3A_139 : i32
          %add3A_141 = arith.addi %mul3A_138, %mul3A_140 : i32
          %get3A = arith.index_cast %add3A_141 : i32 to index
          %get3A_142 = tpu.vector_load %arg6[%get3A] {strides = array<i32>} : memref<16384xi32, #tpu.memory_space<vmem>>, vector<16xi32>,
          %gather3A = tpu.vector_load_idx %arg5[%get3A_142] : memref<100000xf32, #tpu.memory_space<vmem>>[vector<16xi32>], vector<16xf32>,
          %jit3A_143 = arith.constant 2 : i32
          %eq3A_144 = arith.constant 0 : i32
          %eq3A_145 = arith.cmpi eq, %jit3A_143, %eq3A_144 : i32
          %jit3A_146 = arith.constant 1 : i32
          %select_n3A_147 = arith.select %eq3A_145, %jit3A_146, %jit3A_143 : i32
          %rem3A_148 = arith.remsi %scan3A_98, %select_n3A_147 : i32
          %ne3A_149 = arith.constant 0 : i32
          %ne3A_150 = arith.cmpi ne, %rem3A_148, %ne3A_149 : i32
          %lt3A_151 = arith.constant 0 : i32
          %lt3A_152 = arith.cmpi slt, %rem3A_148, %lt3A_151 : i32
          %lt3A_153 = arith.constant 0 : i32
          %lt3A_154 = arith.cmpi slt, %select_n3A_147, %lt3A_153 : i32
          %ne3A_155 = arith.xori %lt3A_152, %lt3A_154 : i1
          %and3A_156 = arith.andi %ne3A_155, %ne3A_150 : i1
          %add3A_157 = arith.addi %rem3A_148, %select_n3A_147 : i32
          %select_n3A_158 = arith.select %and3A_156, %add3A_157, %rem3A_148 : i32
          %mul3A_159 = arith.constant 16 : i32
          %mul3A_160 = arith.muli %scan3A_136, %mul3A_159 : i32
          %swap3A = arith.index_cast %select_n3A_158 : i32 to index
          %swap3A_161 = arith.index_cast %mul3A_160 : i32 to index
          %swap3A_162 = tpu.vector_load %arg7[%swap3A, %swap3A_161] {strides = array<i32>} : memref<2x4096xf32, #tpu.memory_space<vmem>>, vector<16xf32>,
          tpu.vector_store %arg7[%swap3A, %swap3A_161], %gather3A {strides = array<i32>} : memref<2x4096xf32, #tpu.memory_space<vmem>>, vector<16xf32>,
          %scan3A_163 = arith.constant 1 : i32
          %scan3A_164 = arith.addi %scan3A_136, %scan3A_163 : i32
          %mul3A_165 = arith.constant 4096 : i32
          %mul3A_166 = arith.muli %scan3A_98, %mul3A_165 : i32
          %mul3A_167 = arith.constant 16 : i32
          %mul3A_168 = arith.muli %scan3A_164, %mul3A_167 : i32
          %add3A_169 = arith.addi %mul3A_166, %mul3A_168 : i32
          %get3A_170 = arith.index_cast %add3A_169 : i32 to index
          %get3A_171 = tpu.vector_load %arg6[%get3A_170] {strides = array<i32>} : memref<16384xi32, #tpu.memory_space<vmem>>, vector<16xi32>,
          %gather3A_172 = tpu.vector_load_idx %arg5[%get3A_171] : memref<100000xf32, #tpu.memory_space<vmem>>[vector<16xi32>], vector<16xf32>,
          %jit3A_173 = arith.constant 2 : i32
          %eq3A_174 = arith.constant 0 : i32
          %eq3A_175 = arith.cmpi eq, %jit3A_173, %eq3A_174 : i32
          %jit3A_176 = arith.constant 1 : i32
          %select_n3A_177 = arith.select %eq3A_175, %jit3A_176, %jit3A_173 : i32
          %rem3A_178 = arith.remsi %scan3A_98, %select_n3A_177 : i32
          %ne3A_179 = arith.constant 0 : i32
          %ne3A_180 = arith.cmpi ne, %rem3A_178, %ne3A_179 : i32
          %lt3A_181 = arith.constant 0 : i32
          %lt3A_182 = arith.cmpi slt, %rem3A_178, %lt3A_181 : i32
          %lt3A_183 = arith.constant 0 : i32
          %lt3A_184 = arith.cmpi slt, %select_n3A_177, %lt3A_183 : i32
          %ne3A_185 = arith.xori %lt3A_182, %lt3A_184 : i1
          %and3A_186 = arith.andi %ne3A_185, %ne3A_180 : i1
          %add3A_187 = arith.addi %rem3A_178, %select_n3A_177 : i32
          %select_n3A_188 = arith.select %and3A_186, %add3A_187, %rem3A_178 : i32
          %mul3A_189 = arith.constant 16 : i32
          %mul3A_190 = arith.muli %scan3A_164, %mul3A_189 : i32
          %swap3A_191 = arith.index_cast %select_n3A_188 : i32 to index
          %swap3A_192 = arith.index_cast %mul3A_190 : i32 to index
          %swap3A_193 = tpu.vector_load %arg7[%swap3A_191, %swap3A_192] {strides = array<i32>} : memref<2x4096xf32, #tpu.memory_space<vmem>>, vector<16xf32>,
          tpu.vector_store %arg7[%swap3A_191, %swap3A_192], %gather3A_172 {strides = array<i32>} : memref<2x4096xf32, #tpu.memory_space<vmem>>, vector<16xf32>,
          %scan3A_194 = arith.constant 2 : i32
          %scan3A_195 = arith.addi %scan3A_136, %scan3A_194 : i32
          %mul3A_196 = arith.constant 4096 : i32
          %mul3A_197 = arith.muli %scan3A_98, %mul3A_196 : i32
          %mul3A_198 = arith.constant 16 : i32
          %mul3A_199 = arith.muli %scan3A_195, %mul3A_198 : i32
          %add3A_200 = arith.addi %mul3A_197, %mul3A_199 : i32
          %get3A_201 = arith.index_cast %add3A_200 : i32 to index
          %get3A_202 = tpu.vector_load %arg6[%get3A_201] {strides = array<i32>} : memref<16384xi32, #tpu.memory_space<vmem>>, vector<16xi32>,
          %gather3A_203 = tpu.vector_load_idx %arg5[%get3A_202] : memref<100000xf32, #tpu.memory_space<vmem>>[vector<16xi32>], vector<16xf32>,
          %jit3A_204 = arith.constant 2 : i32
          %eq3A_205 = arith.constant 0 : i32
          %eq3A_206 = arith.cmpi eq, %jit3A_204, %eq3A_205 : i32
          %jit3A_207 = arith.constant 1 : i32
          %select_n3A_208 = arith.select %eq3A_206, %jit3A_207, %jit3A_204 : i32
          %rem3A_209 = arith.remsi %scan3A_98, %select_n3A_208 : i32
          %ne3A_210 = arith.constant 0 : i32
          %ne3A_211 = arith.cmpi ne, %rem3A_209, %ne3A_210 : i32
          %lt3A_212 = arith.constant 0 : i32
          %lt3A_213 = arith.cmpi slt, %rem3A_209, %lt3A_212 : i32
          %lt3A_214 = arith.constant 0 : i32
          %lt3A_215 = arith.cmpi slt, %select_n3A_208, %lt3A_214 : i32
          %ne3A_216 = arith.xori %lt3A_213, %lt3A_215 : i1
          %and3A_217 = arith.andi %ne3A_216, %ne3A_211 : i1
          %add3A_218 = arith.addi %rem3A_209, %select_n3A_208 : i32
          %select_n3A_219 = arith.select %and3A_217, %add3A_218, %rem3A_209 : i32
          %mul3A_220 = arith.constant 16 : i32
          %mul3A_221 = arith.muli %scan3A_195, %mul3A_220 : i32
          %swap3A_222 = arith.index_cast %select_n3A_219 : i32 to index
          %swap3A_223 = arith.index_cast %mul3A_221 : i32 to index
          %swap3A_224 = tpu.vector_load %arg7[%swap3A_222, %swap3A_223] {strides = array<i32>} : memref<2x4096xf32, #tpu.memory_space<vmem>>, vector<16xf32>,
          tpu.vector_store %arg7[%swap3A_222, %swap3A_223], %gather3A_203 {strides = array<i32>} : memref<2x4096xf32, #tpu.memory_space<vmem>>, vector<16xf32>,
          %scan3A_225 = arith.constant 3 : i32
          %scan3A_226 = arith.addi %scan3A_136, %scan3A_225 : i32
          %mul3A_227 = arith.constant 4096 : i32
          %mul3A_228 = arith.muli %scan3A_98, %mul3A_227 : i32
          %mul3A_229 = arith.constant 16 : i32
          %mul3A_230 = arith.muli %scan3A_226, %mul3A_229 : i32
          %add3A_231 = arith.addi %mul3A_228, %mul3A_230 : i32
          %get3A_232 = arith.index_cast %add3A_231 : i32 to index
          %get3A_233 = tpu.vector_load %arg6[%get3A_232] {strides = array<i32>} : memref<16384xi32, #tpu.memory_space<vmem>>, vector<16xi32>,
          %gather3A_234 = tpu.vector_load_idx %arg5[%get3A_233] : memref<100000xf32, #tpu.memory_space<vmem>>[vector<16xi32>], vector<16xf32>,
          %jit3A_235 = arith.constant 2 : i32
          %eq3A_236 = arith.constant 0 : i32
          %eq3A_237 = arith.cmpi eq, %jit3A_235, %eq3A_236 : i32
          %jit3A_238 = arith.constant 1 : i32
          %select_n3A_239 = arith.select %eq3A_237, %jit3A_238, %jit3A_235 : i32
          %rem3A_240 = arith.remsi %scan3A_98, %select_n3A_239 : i32
          %ne3A_241 = arith.constant 0 : i32
          %ne3A_242 = arith.cmpi ne, %rem3A_240, %ne3A_241 : i32
          %lt3A_243 = arith.constant 0 : i32
          %lt3A_244 = arith.cmpi slt, %rem3A_240, %lt3A_243 : i32
          %lt3A_245 = arith.constant 0 : i32
          %lt3A_246 = arith.cmpi slt, %select_n3A_239, %lt3A_245 : i32
          %ne3A_247 = arith.xori %lt3A_244, %lt3A_246 : i1
          %and3A_248 = arith.andi %ne3A_247, %ne3A_242 : i1
          %add3A_249 = arith.addi %rem3A_240, %select_n3A_239 : i32
          %select_n3A_250 = arith.select %and3A_248, %add3A_249, %rem3A_240 : i32
          %mul3A_251 = arith.constant 16 : i32
          %mul3A_252 = arith.muli %scan3A_226, %mul3A_251 : i32
          %swap3A_253 = arith.index_cast %select_n3A_250 : i32 to index
          %swap3A_254 = arith.index_cast %mul3A_252 : i32 to index
          %swap3A_255 = tpu.vector_load %arg7[%swap3A_253, %swap3A_254] {strides = array<i32>} : memref<2x4096xf32, #tpu.memory_space<vmem>>, vector<16xf32>,
          tpu.vector_store %arg7[%swap3A_253, %swap3A_254], %gather3A_234 {strides = array<i32>} : memref<2x4096xf32, #tpu.memory_space<vmem>>, vector<16xf32>,
          %scan3A_256 = arith.constant 4 : i32
          %scan3A_257 = arith.addi %scan3A_136, %scan3A_256 : i32
          %mul3A_258 = arith.constant 4096 : i32
          %mul3A_259 = arith.muli %scan3A_98, %mul3A_258 : i32
          %mul3A_260 = arith.constant 16 : i32
          %mul3A_261 = arith.muli %scan3A_257, %mul3A_260 : i32
          %add3A_262 = arith.addi %mul3A_259, %mul3A_261 : i32
          %get3A_263 = arith.index_cast %add3A_262 : i32 to index
          %get3A_264 = tpu.vector_load %arg6[%get3A_263] {strides = array<i32>} : memref<16384xi32, #tpu.memory_space<vmem>>, vector<16xi32>,
          %gather3A_265 = tpu.vector_load_idx %arg5[%get3A_264] : memref<100000xf32, #tpu.memory_space<vmem>>[vector<16xi32>], vector<16xf32>,
          %jit3A_266 = arith.constant 2 : i32
          %eq3A_267 = arith.constant 0 : i32
          %eq3A_268 = arith.cmpi eq, %jit3A_266, %eq3A_267 : i32
          %jit3A_269 = arith.constant 1 : i32
          %select_n3A_270 = arith.select %eq3A_268, %jit3A_269, %jit3A_266 : i32
          %rem3A_271 = arith.remsi %scan3A_98, %select_n3A_270 : i32
          %ne3A_272 = arith.constant 0 : i32
          %ne3A_273 = arith.cmpi ne, %rem3A_271, %ne3A_272 : i32
          %lt3A_274 = arith.constant 0 : i32
          %lt3A_275 = arith.cmpi slt, %rem3A_271, %lt3A_274 : i32
          %lt3A_276 = arith.constant 0 : i32
          %lt3A_277 = arith.cmpi slt, %select_n3A_270, %lt3A_276 : i32
          %ne3A_278 = arith.xori %lt3A_275, %lt3A_277 : i1
          %and3A_279 = arith.andi %ne3A_278, %ne3A_273 : i1
          %add3A_280 = arith.addi %rem3A_271, %select_n3A_270 : i32
          %select_n3A_281 = arith.select %and3A_279, %add3A_280, %rem3A_271 : i32
          %mul3A_282 = arith.constant 16 : i32
          %mul3A_283 = arith.muli %scan3A_257, %mul3A_282 : i32
          %swap3A_284 = arith.index_cast %select_n3A_281 : i32 to index
          %swap3A_285 = arith.index_cast %mul3A_283 : i32 to index
          %swap3A_286 = tpu.vector_load %arg7[%swap3A_284, %swap3A_285] {strides = array<i32>} : memref<2x4096xf32, #tpu.memory_space<vmem>>, vector<16xf32>,
          tpu.vector_store %arg7[%swap3A_284, %swap3A_285], %gather3A_265 {strides = array<i32>} : memref<2x4096xf32, #tpu.memory_space<vmem>>, vector<16xf32>,
          %scan3A_287 = arith.constant 5 : i32
          %scan3A_288 = arith.addi %scan3A_136, %scan3A_287 : i32
          %mul3A_289 = arith.constant 4096 : i32
          %mul3A_290 = arith.muli %scan3A_98, %mul3A_289 : i32
          %mul3A_291 = arith.constant 16 : i32
          %mul3A_292 = arith.muli %scan3A_288, %mul3A_291 : i32
          %add3A_293 = arith.addi %mul3A_290, %mul3A_292 : i32
          %get3A_294 = arith.index_cast %add3A_293 : i32 to index
          %get3A_295 = tpu.vector_load %arg6[%get3A_294] {strides = array<i32>} : memref<16384xi32, #tpu.memory_space<vmem>>, vector<16xi32>,
          %gather3A_296 = tpu.vector_load_idx %arg5[%get3A_295] : memref<100000xf32, #tpu.memory_space<vmem>>[vector<16xi32>], vector<16xf32>,
          %jit3A_297 = arith.constant 2 : i32
          %eq3A_298 = arith.constant 0 : i32
          %eq3A_299 = arith.cmpi eq, %jit3A_297, %eq3A_298 : i32
          %jit3A_300 = arith.constant 1 : i32
          %select_n3A_301 = arith.select %eq3A_299, %jit3A_300, %jit3A_297 : i32
          %rem3A_302 = arith.remsi %scan3A_98, %select_n3A_301 : i32
          %ne3A_303 = arith.constant 0 : i32
          %ne3A_304 = arith.cmpi ne, %rem3A_302, %ne3A_303 : i32
          %lt3A_305 = arith.constant 0 : i32
          %lt3A_306 = arith.cmpi slt, %rem3A_302, %lt3A_305 : i32
          %lt3A_307 = arith.constant 0 : i32
          %lt3A_308 = arith.cmpi slt, %select_n3A_301, %lt3A_307 : i32
          %ne3A_309 = arith.xori %lt3A_306, %lt3A_308 : i1
          %and3A_310 = arith.andi %ne3A_309, %ne3A_304 : i1
          %add3A_311 = arith.addi %rem3A_302, %select_n3A_301 : i32
          %select_n3A_312 = arith.select %and3A_310, %add3A_311, %rem3A_302 : i32
          %mul3A_313 = arith.constant 16 : i32
          %mul3A_314 = arith.muli %scan3A_288, %mul3A_313 : i32
          %swap3A_315 = arith.index_cast %select_n3A_312 : i32 to index
          %swap3A_316 = arith.index_cast %mul3A_314 : i32 to index
          %swap3A_317 = tpu.vector_load %arg7[%swap3A_315, %swap3A_316] {strides = array<i32>} : memref<2x4096xf32, #tpu.memory_space<vmem>>, vector<16xf32>,
          tpu.vector_store %arg7[%swap3A_315, %swap3A_316], %gather3A_296 {strides = array<i32>} : memref<2x4096xf32, #tpu.memory_space<vmem>>, vector<16xf32>,
          %scan3A_318 = arith.constant 6 : i32
          %scan3A_319 = arith.addi %scan3A_136, %scan3A_318 : i32
          %mul3A_320 = arith.constant 4096 : i32
          %mul3A_321 = arith.muli %scan3A_98, %mul3A_320 : i32
          %mul3A_322 = arith.constant 16 : i32
          %mul3A_323 = arith.muli %scan3A_319, %mul3A_322 : i32
          %add3A_324 = arith.addi %mul3A_321, %mul3A_323 : i32
          %get3A_325 = arith.index_cast %add3A_324 : i32 to index
          %get3A_326 = tpu.vector_load %arg6[%get3A_325] {strides = array<i32>} : memref<16384xi32, #tpu.memory_space<vmem>>, vector<16xi32>,
          %gather3A_327 = tpu.vector_load_idx %arg5[%get3A_326] : memref<100000xf32, #tpu.memory_space<vmem>>[vector<16xi32>], vector<16xf32>,
          %jit3A_328 = arith.constant 2 : i32
          %eq3A_329 = arith.constant 0 : i32
          %eq3A_330 = arith.cmpi eq, %jit3A_328, %eq3A_329 : i32
          %jit3A_331 = arith.constant 1 : i32
          %select_n3A_332 = arith.select %eq3A_330, %jit3A_331, %jit3A_328 : i32
          %rem3A_333 = arith.remsi %scan3A_98, %select_n3A_332 : i32
          %ne3A_334 = arith.constant 0 : i32
          %ne3A_335 = arith.cmpi ne, %rem3A_333, %ne3A_334 : i32
          %lt3A_336 = arith.constant 0 : i32
          %lt3A_337 = arith.cmpi slt, %rem3A_333, %lt3A_336 : i32
          %lt3A_338 = arith.constant 0 : i32
          %lt3A_339 = arith.cmpi slt, %select_n3A_332, %lt3A_338 : i32
          %ne3A_340 = arith.xori %lt3A_337, %lt3A_339 : i1
          %and3A_341 = arith.andi %ne3A_340, %ne3A_335 : i1
          %add3A_342 = arith.addi %rem3A_333, %select_n3A_332 : i32
          %select_n3A_343 = arith.select %and3A_341, %add3A_342, %rem3A_333 : i32
          %mul3A_344 = arith.constant 16 : i32
          %mul3A_345 = arith.muli %scan3A_319, %mul3A_344 : i32
          %swap3A_346 = arith.index_cast %select_n3A_343 : i32 to index
          %swap3A_347 = arith.index_cast %mul3A_345 : i32 to index
          %swap3A_348 = tpu.vector_load %arg7[%swap3A_346, %swap3A_347] {strides = array<i32>} : memref<2x4096xf32, #tpu.memory_space<vmem>>, vector<16xf32>,
          tpu.vector_store %arg7[%swap3A_346, %swap3A_347], %gather3A_327 {strides = array<i32>} : memref<2x4096xf32, #tpu.memory_space<vmem>>, vector<16xf32>,
          %scan3A_349 = arith.constant 7 : i32
          %scan3A_350 = arith.addi %scan3A_136, %scan3A_349 : i32
          %mul3A_351 = arith.constant 4096 : i32
          %mul3A_352 = arith.muli %scan3A_98, %mul3A_351 : i32
          %mul3A_353 = arith.constant 16 : i32
          %mul3A_354 = arith.muli %scan3A_350, %mul3A_353 : i32
          %add3A_355 = arith.addi %mul3A_352, %mul3A_354 : i32
          %get3A_356 = arith.index_cast %add3A_355 : i32 to index
          %get3A_357 = tpu.vector_load %arg6[%get3A_356] {strides = array<i32>} : memref<16384xi32, #tpu.memory_space<vmem>>, vector<16xi32>,
          %gather3A_358 = tpu.vector_load_idx %arg5[%get3A_357] : memref<100000xf32, #tpu.memory_space<vmem>>[vector<16xi32>], vector<16xf32>,
          %jit3A_359 = arith.constant 2 : i32
          %eq3A_360 = arith.constant 0 : i32
          %eq3A_361 = arith.cmpi eq, %jit3A_359, %eq3A_360 : i32
          %jit3A_362 = arith.constant 1 : i32
          %select_n3A_363 = arith.select %eq3A_361, %jit3A_362, %jit3A_359 : i32
          %rem3A_364 = arith.remsi %scan3A_98, %select_n3A_363 : i32
          %ne3A_365 = arith.constant 0 : i32
          %ne3A_366 = arith.cmpi ne, %rem3A_364, %ne3A_365 : i32
          %lt3A_367 = arith.constant 0 : i32
          %lt3A_368 = arith.cmpi slt, %rem3A_364, %lt3A_367 : i32
          %lt3A_369 = arith.constant 0 : i32
          %lt3A_370 = arith.cmpi slt, %select_n3A_363, %lt3A_369 : i32
          %ne3A_371 = arith.xori %lt3A_368, %lt3A_370 : i1
          %and3A_372 = arith.andi %ne3A_371, %ne3A_366 : i1
          %add3A_373 = arith.addi %rem3A_364, %select_n3A_363 : i32
          %select_n3A_374 = arith.select %and3A_372, %add3A_373, %rem3A_364 : i32
          %mul3A_375 = arith.constant 16 : i32
          %mul3A_376 = arith.muli %scan3A_350, %mul3A_375 : i32
          %swap3A_377 = arith.index_cast %select_n3A_374 : i32 to index
          %swap3A_378 = arith.index_cast %mul3A_376 : i32 to index
          %swap3A_379 = tpu.vector_load %arg7[%swap3A_377, %swap3A_378] {strides = array<i32>} : memref<2x4096xf32, #tpu.memory_space<vmem>>, vector<16xf32>,
          tpu.vector_store %arg7[%swap3A_377, %swap3A_378], %gather3A_358 {strides = array<i32>} : memref<2x4096xf32, #tpu.memory_space<vmem>>, vector<16xf32>,
          %scan3A_380 = arith.constant 8 : i32
          %scan3A_381 = arith.addi %scan3A_136, %scan3A_380 : i32
          %mul3A_382 = arith.constant 4096 : i32
          %mul3A_383 = arith.muli %scan3A_98, %mul3A_382 : i32
          %mul3A_384 = arith.constant 16 : i32
          %mul3A_385 = arith.muli %scan3A_381, %mul3A_384 : i32
          %add3A_386 = arith.addi %mul3A_383, %mul3A_385 : i32
          %get3A_387 = arith.index_cast %add3A_386 : i32 to index
          %get3A_388 = tpu.vector_load %arg6[%get3A_387] {strides = array<i32>} : memref<16384xi32, #tpu.memory_space<vmem>>, vector<16xi32>,
          %gather3A_389 = tpu.vector_load_idx %arg5[%get3A_388] : memref<100000xf32, #tpu.memory_space<vmem>>[vector<16xi32>], vector<16xf32>,
          %jit3A_390 = arith.constant 2 : i32
          %eq3A_391 = arith.constant 0 : i32
          %eq3A_392 = arith.cmpi eq, %jit3A_390, %eq3A_391 : i32
          %jit3A_393 = arith.constant 1 : i32
          %select_n3A_394 = arith.select %eq3A_392, %jit3A_393, %jit3A_390 : i32
          %rem3A_395 = arith.remsi %scan3A_98, %select_n3A_394 : i32
          %ne3A_396 = arith.constant 0 : i32
          %ne3A_397 = arith.cmpi ne, %rem3A_395, %ne3A_396 : i32
          %lt3A_398 = arith.constant 0 : i32
          %lt3A_399 = arith.cmpi slt, %rem3A_395, %lt3A_398 : i32
          %lt3A_400 = arith.constant 0 : i32
          %lt3A_401 = arith.cmpi slt, %select_n3A_394, %lt3A_400 : i32
          %ne3A_402 = arith.xori %lt3A_399, %lt3A_401 : i1
          %and3A_403 = arith.andi %ne3A_402, %ne3A_397 : i1
          %add3A_404 = arith.addi %rem3A_395, %select_n3A_394 : i32
          %select_n3A_405 = arith.select %and3A_403, %add3A_404, %rem3A_395 : i32
          %mul3A_406 = arith.constant 16 : i32
          %mul3A_407 = arith.muli %scan3A_381, %mul3A_406 : i32
          %swap3A_408 = arith.index_cast %select_n3A_405 : i32 to index
          %swap3A_409 = arith.index_cast %mul3A_407 : i32 to index
          %swap3A_410 = tpu.vector_load %arg7[%swap3A_408, %swap3A_409] {strides = array<i32>} : memref<2x4096xf32, #tpu.memory_space<vmem>>, vector<16xf32>,
          tpu.vector_store %arg7[%swap3A_408, %swap3A_409], %gather3A_389 {strides = array<i32>} : memref<2x4096xf32, #tpu.memory_space<vmem>>, vector<16xf32>,
          %scan3A_411 = arith.constant 9 : i32
          %scan3A_412 = arith.addi %scan3A_136, %scan3A_411 : i32
          %mul3A_413 = arith.constant 4096 : i32
          %mul3A_414 = arith.muli %scan3A_98, %mul3A_413 : i32
          %mul3A_415 = arith.constant 16 : i32
          %mul3A_416 = arith.muli %scan3A_412, %mul3A_415 : i32
          %add3A_417 = arith.addi %mul3A_414, %mul3A_416 : i32
          %get3A_418 = arith.index_cast %add3A_417 : i32 to index
          %get3A_419 = tpu.vector_load %arg6[%get3A_418] {strides = array<i32>} : memref<16384xi32, #tpu.memory_space<vmem>>, vector<16xi32>,
          %gather3A_420 = tpu.vector_load_idx %arg5[%get3A_419] : memref<100000xf32, #tpu.memory_space<vmem>>[vector<16xi32>], vector<16xf32>,
          %jit3A_421 = arith.constant 2 : i32
          %eq3A_422 = arith.constant 0 : i32
          %eq3A_423 = arith.cmpi eq, %jit3A_421, %eq3A_422 : i32
          %jit3A_424 = arith.constant 1 : i32
          %select_n3A_425 = arith.select %eq3A_423, %jit3A_424, %jit3A_421 : i32
          %rem3A_426 = arith.remsi %scan3A_98, %select_n3A_425 : i32
          %ne3A_427 = arith.constant 0 : i32
          %ne3A_428 = arith.cmpi ne, %rem3A_426, %ne3A_427 : i32
          %lt3A_429 = arith.constant 0 : i32
          %lt3A_430 = arith.cmpi slt, %rem3A_426, %lt3A_429 : i32
          %lt3A_431 = arith.constant 0 : i32
          %lt3A_432 = arith.cmpi slt, %select_n3A_425, %lt3A_431 : i32
          %ne3A_433 = arith.xori %lt3A_430, %lt3A_432 : i1
          %and3A_434 = arith.andi %ne3A_433, %ne3A_428 : i1
          %add3A_435 = arith.addi %rem3A_426, %select_n3A_425 : i32
          %select_n3A_436 = arith.select %and3A_434, %add3A_435, %rem3A_426 : i32
          %mul3A_437 = arith.constant 16 : i32
          %mul3A_438 = arith.muli %scan3A_412, %mul3A_437 : i32
          %swap3A_439 = arith.index_cast %select_n3A_436 : i32 to index
          %swap3A_440 = arith.index_cast %mul3A_438 : i32 to index
          %swap3A_441 = tpu.vector_load %arg7[%swap3A_439, %swap3A_440] {strides = array<i32>} : memref<2x4096xf32, #tpu.memory_space<vmem>>, vector<16xf32>,
          tpu.vector_store %arg7[%swap3A_439, %swap3A_440], %gather3A_420 {strides = array<i32>} : memref<2x4096xf32, #tpu.memory_space<vmem>>, vector<16xf32>,
          %scan3A_442 = arith.constant 10 : i32
          %scan3A_443 = arith.addi %scan3A_136, %scan3A_442 : i32
          %mul3A_444 = arith.constant 4096 : i32
          %mul3A_445 = arith.muli %scan3A_98, %mul3A_444 : i32
          %mul3A_446 = arith.constant 16 : i32
          %mul3A_447 = arith.muli %scan3A_443, %mul3A_446 : i32
          %add3A_448 = arith.addi %mul3A_445, %mul3A_447 : i32
          %get3A_449 = arith.index_cast %add3A_448 : i32 to index
          %get3A_450 = tpu.vector_load %arg6[%get3A_449] {strides = array<i32>} : memref<16384xi32, #tpu.memory_space<vmem>>, vector<16xi32>,
          %gather3A_451 = tpu.vector_load_idx %arg5[%get3A_450] : memref<100000xf32, #tpu.memory_space<vmem>>[vector<16xi32>], vector<16xf32>,
          %jit3A_452 = arith.constant 2 : i32
          %eq3A_453 = arith.constant 0 : i32
          %eq3A_454 = arith.cmpi eq, %jit3A_452, %eq3A_453 : i32
          %jit3A_455 = arith.constant 1 : i32
          %select_n3A_456 = arith.select %eq3A_454, %jit3A_455, %jit3A_452 : i32
          %rem3A_457 = arith.remsi %scan3A_98, %select_n3A_456 : i32
          %ne3A_458 = arith.constant 0 : i32
          %ne3A_459 = arith.cmpi ne, %rem3A_457, %ne3A_458 : i32
          %lt3A_460 = arith.constant 0 : i32
          %lt3A_461 = arith.cmpi slt, %rem3A_457, %lt3A_460 : i32
          %lt3A_462 = arith.constant 0 : i32
          %lt3A_463 = arith.cmpi slt, %select_n3A_456, %lt3A_462 : i32
          %ne3A_464 = arith.xori %lt3A_461, %lt3A_463 : i1
          %and3A_465 = arith.andi %ne3A_464, %ne3A_459 : i1
          %add3A_466 = arith.addi %rem3A_457, %select_n3A_456 : i32
          %select_n3A_467 = arith.select %and3A_465, %add3A_466, %rem3A_457 : i32
          %mul3A_468 = arith.constant 16 : i32
          %mul3A_469 = arith.muli %scan3A_443, %mul3A_468 : i32
          %swap3A_470 = arith.index_cast %select_n3A_467 : i32 to index
          %swap3A_471 = arith.index_cast %mul3A_469 : i32 to index
          %swap3A_472 = tpu.vector_load %arg7[%swap3A_470, %swap3A_471] {strides = array<i32>} : memref<2x4096xf32, #tpu.memory_space<vmem>>, vector<16xf32>,
          tpu.vector_store %arg7[%swap3A_470, %swap3A_471], %gather3A_451 {strides = array<i32>} : memref<2x4096xf32, #tpu.memory_space<vmem>>, vector<16xf32>,
          %scan3A_473 = arith.constant 11 : i32
          %scan3A_474 = arith.addi %scan3A_136, %scan3A_473 : i32
          %mul3A_475 = arith.constant 4096 : i32
          %mul3A_476 = arith.muli %scan3A_98, %mul3A_475 : i32
          %mul3A_477 = arith.constant 16 : i32
          %mul3A_478 = arith.muli %scan3A_474, %mul3A_477 : i32
          %add3A_479 = arith.addi %mul3A_476, %mul3A_478 : i32
          %get3A_480 = arith.index_cast %add3A_479 : i32 to index
          %get3A_481 = tpu.vector_load %arg6[%get3A_480] {strides = array<i32>} : memref<16384xi32, #tpu.memory_space<vmem>>, vector<16xi32>,
          %gather3A_482 = tpu.vector_load_idx %arg5[%get3A_481] : memref<100000xf32, #tpu.memory_space<vmem>>[vector<16xi32>], vector<16xf32>,
          %jit3A_483 = arith.constant 2 : i32
          %eq3A_484 = arith.constant 0 : i32
          %eq3A_485 = arith.cmpi eq, %jit3A_483, %eq3A_484 : i32
          %jit3A_486 = arith.constant 1 : i32
          %select_n3A_487 = arith.select %eq3A_485, %jit3A_486, %jit3A_483 : i32
          %rem3A_488 = arith.remsi %scan3A_98, %select_n3A_487 : i32
          %ne3A_489 = arith.constant 0 : i32
          %ne3A_490 = arith.cmpi ne, %rem3A_488, %ne3A_489 : i32
          %lt3A_491 = arith.constant 0 : i32
          %lt3A_492 = arith.cmpi slt, %rem3A_488, %lt3A_491 : i32
          %lt3A_493 = arith.constant 0 : i32
          %lt3A_494 = arith.cmpi slt, %select_n3A_487, %lt3A_493 : i32
          %ne3A_495 = arith.xori %lt3A_492, %lt3A_494 : i1
          %and3A_496 = arith.andi %ne3A_495, %ne3A_490 : i1
          %add3A_497 = arith.addi %rem3A_488, %select_n3A_487 : i32
          %select_n3A_498 = arith.select %and3A_496, %add3A_497, %rem3A_488 : i32
          %mul3A_499 = arith.constant 16 : i32
          %mul3A_500 = arith.muli %scan3A_474, %mul3A_499 : i32
          %swap3A_501 = arith.index_cast %select_n3A_498 : i32 to index
          %swap3A_502 = arith.index_cast %mul3A_500 : i32 to index
          %swap3A_503 = tpu.vector_load %arg7[%swap3A_501, %swap3A_502] {strides = array<i32>} : memref<2x4096xf32, #tpu.memory_space<vmem>>, vector<16xf32>,
          tpu.vector_store %arg7[%swap3A_501, %swap3A_502], %gather3A_482 {strides = array<i32>} : memref<2x4096xf32, #tpu.memory_space<vmem>>, vector<16xf32>,
          %scan3A_504 = arith.constant 12 : i32
          %scan3A_505 = arith.addi %scan3A_136, %scan3A_504 : i32
          %mul3A_506 = arith.constant 4096 : i32
          %mul3A_507 = arith.muli %scan3A_98, %mul3A_506 : i32
          %mul3A_508 = arith.constant 16 : i32
          %mul3A_509 = arith.muli %scan3A_505, %mul3A_508 : i32
          %add3A_510 = arith.addi %mul3A_507, %mul3A_509 : i32
          %get3A_511 = arith.index_cast %add3A_510 : i32 to index
          %get3A_512 = tpu.vector_load %arg6[%get3A_511] {strides = array<i32>} : memref<16384xi32, #tpu.memory_space<vmem>>, vector<16xi32>,
          %gather3A_513 = tpu.vector_load_idx %arg5[%get3A_512] : memref<100000xf32, #tpu.memory_space<vmem>>[vector<16xi32>], vector<16xf32>,
          %jit3A_514 = arith.constant 2 : i32
          %eq3A_515 = arith.constant 0 : i32
          %eq3A_516 = arith.cmpi eq, %jit3A_514, %eq3A_515 : i32
          %jit3A_517 = arith.constant 1 : i32
          %select_n3A_518 = arith.select %eq3A_516, %jit3A_517, %jit3A_514 : i32
          %rem3A_519 = arith.remsi %scan3A_98, %select_n3A_518 : i32
          %ne3A_520 = arith.constant 0 : i32
          %ne3A_521 = arith.cmpi ne, %rem3A_519, %ne3A_520 : i32
          %lt3A_522 = arith.constant 0 : i32
          %lt3A_523 = arith.cmpi slt, %rem3A_519, %lt3A_522 : i32
          %lt3A_524 = arith.constant 0 : i32
          %lt3A_525 = arith.cmpi slt, %select_n3A_518, %lt3A_524 : i32
          %ne3A_526 = arith.xori %lt3A_523, %lt3A_525 : i1
          %and3A_527 = arith.andi %ne3A_526, %ne3A_521 : i1
          %add3A_528 = arith.addi %rem3A_519, %select_n3A_518 : i32
          %select_n3A_529 = arith.select %and3A_527, %add3A_528, %rem3A_519 : i32
          %mul3A_530 = arith.constant 16 : i32
          %mul3A_531 = arith.muli %scan3A_505, %mul3A_530 : i32
          %swap3A_532 = arith.index_cast %select_n3A_529 : i32 to index
          %swap3A_533 = arith.index_cast %mul3A_531 : i32 to index
          %swap3A_534 = tpu.vector_load %arg7[%swap3A_532, %swap3A_533] {strides = array<i32>} : memref<2x4096xf32, #tpu.memory_space<vmem>>, vector<16xf32>,
          tpu.vector_store %arg7[%swap3A_532, %swap3A_533], %gather3A_513 {strides = array<i32>} : memref<2x4096xf32, #tpu.memory_space<vmem>>, vector<16xf32>,
          %scan3A_535 = arith.constant 13 : i32
          %scan3A_536 = arith.addi %scan3A_136, %scan3A_535 : i32
          %mul3A_537 = arith.constant 4096 : i32
          %mul3A_538 = arith.muli %scan3A_98, %mul3A_537 : i32
          %mul3A_539 = arith.constant 16 : i32
          %mul3A_540 = arith.muli %scan3A_536, %mul3A_539 : i32
          %add3A_541 = arith.addi %mul3A_538, %mul3A_540 : i32
          %get3A_542 = arith.index_cast %add3A_541 : i32 to index
          %get3A_543 = tpu.vector_load %arg6[%get3A_542] {strides = array<i32>} : memref<16384xi32, #tpu.memory_space<vmem>>, vector<16xi32>,
          %gather3A_544 = tpu.vector_load_idx %arg5[%get3A_543] : memref<100000xf32, #tpu.memory_space<vmem>>[vector<16xi32>], vector<16xf32>,
          %jit3A_545 = arith.constant 2 : i32
          %eq3A_546 = arith.constant 0 : i32
          %eq3A_547 = arith.cmpi eq, %jit3A_545, %eq3A_546 : i32
          %jit3A_548 = arith.constant 1 : i32
          %select_n3A_549 = arith.select %eq3A_547, %jit3A_548, %jit3A_545 : i32
          %rem3A_550 = arith.remsi %scan3A_98, %select_n3A_549 : i32
          %ne3A_551 = arith.constant 0 : i32
          %ne3A_552 = arith.cmpi ne, %rem3A_550, %ne3A_551 : i32
          %lt3A_553 = arith.constant 0 : i32
          %lt3A_554 = arith.cmpi slt, %rem3A_550, %lt3A_553 : i32
          %lt3A_555 = arith.constant 0 : i32
          %lt3A_556 = arith.cmpi slt, %select_n3A_549, %lt3A_555 : i32
          %ne3A_557 = arith.xori %lt3A_554, %lt3A_556 : i1
          %and3A_558 = arith.andi %ne3A_557, %ne3A_552 : i1
          %add3A_559 = arith.addi %rem3A_550, %select_n3A_549 : i32
          %select_n3A_560 = arith.select %and3A_558, %add3A_559, %rem3A_550 : i32
          %mul3A_561 = arith.constant 16 : i32
          %mul3A_562 = arith.muli %scan3A_536, %mul3A_561 : i32
          %swap3A_563 = arith.index_cast %select_n3A_560 : i32 to index
          %swap3A_564 = arith.index_cast %mul3A_562 : i32 to index
          %swap3A_565 = tpu.vector_load %arg7[%swap3A_563, %swap3A_564] {strides = array<i32>} : memref<2x4096xf32, #tpu.memory_space<vmem>>, vector<16xf32>,
          tpu.vector_store %arg7[%swap3A_563, %swap3A_564], %gather3A_544 {strides = array<i32>} : memref<2x4096xf32, #tpu.memory_space<vmem>>, vector<16xf32>,
          %scan3A_566 = arith.constant 14 : i32
          %scan3A_567 = arith.addi %scan3A_136, %scan3A_566 : i32
          %mul3A_568 = arith.constant 4096 : i32
          %mul3A_569 = arith.muli %scan3A_98, %mul3A_568 : i32
          %mul3A_570 = arith.constant 16 : i32
          %mul3A_571 = arith.muli %scan3A_567, %mul3A_570 : i32
          %add3A_572 = arith.addi %mul3A_569, %mul3A_571 : i32
          %get3A_573 = arith.index_cast %add3A_572 : i32 to index
          %get3A_574 = tpu.vector_load %arg6[%get3A_573] {strides = array<i32>} : memref<16384xi32, #tpu.memory_space<vmem>>, vector<16xi32>,
          %gather3A_575 = tpu.vector_load_idx %arg5[%get3A_574] : memref<100000xf32, #tpu.memory_space<vmem>>[vector<16xi32>], vector<16xf32>,
          %jit3A_576 = arith.constant 2 : i32
          %eq3A_577 = arith.constant 0 : i32
          %eq3A_578 = arith.cmpi eq, %jit3A_576, %eq3A_577 : i32
          %jit3A_579 = arith.constant 1 : i32
          %select_n3A_580 = arith.select %eq3A_578, %jit3A_579, %jit3A_576 : i32
          %rem3A_581 = arith.remsi %scan3A_98, %select_n3A_580 : i32
          %ne3A_582 = arith.constant 0 : i32
          %ne3A_583 = arith.cmpi ne, %rem3A_581, %ne3A_582 : i32
          %lt3A_584 = arith.constant 0 : i32
          %lt3A_585 = arith.cmpi slt, %rem3A_581, %lt3A_584 : i32
          %lt3A_586 = arith.constant 0 : i32
          %lt3A_587 = arith.cmpi slt, %select_n3A_580, %lt3A_586 : i32
          %ne3A_588 = arith.xori %lt3A_585, %lt3A_587 : i1
          %and3A_589 = arith.andi %ne3A_588, %ne3A_583 : i1
          %add3A_590 = arith.addi %rem3A_581, %select_n3A_580 : i32
          %select_n3A_591 = arith.select %and3A_589, %add3A_590, %rem3A_581 : i32
          %mul3A_592 = arith.constant 16 : i32
          %mul3A_593 = arith.muli %scan3A_567, %mul3A_592 : i32
          %swap3A_594 = arith.index_cast %select_n3A_591 : i32 to index
          %swap3A_595 = arith.index_cast %mul3A_593 : i32 to index
          %swap3A_596 = tpu.vector_load %arg7[%swap3A_594, %swap3A_595] {strides = array<i32>} : memref<2x4096xf32, #tpu.memory_space<vmem>>, vector<16xf32>,
          tpu.vector_store %arg7[%swap3A_594, %swap3A_595], %gather3A_575 {strides = array<i32>} : memref<2x4096xf32, #tpu.memory_space<vmem>>, vector<16xf32>,
          %scan3A_597 = arith.constant 15 : i32
          %scan3A_598 = arith.addi %scan3A_136, %scan3A_597 : i32
          %mul3A_599 = arith.constant 4096 : i32
          %mul3A_600 = arith.muli %scan3A_98, %mul3A_599 : i32
          %mul3A_601 = arith.constant 16 : i32
          %mul3A_602 = arith.muli %scan3A_598, %mul3A_601 : i32
          %add3A_603 = arith.addi %mul3A_600, %mul3A_602 : i32
          %get3A_604 = arith.index_cast %add3A_603 : i32 to index
          %get3A_605 = tpu.vector_load %arg6[%get3A_604] {strides = array<i32>} : memref<16384xi32, #tpu.memory_space<vmem>>, vector<16xi32>,
          %gather3A_606 = tpu.vector_load_idx %arg5[%get3A_605] : memref<100000xf32, #tpu.memory_space<vmem>>[vector<16xi32>], vector<16xf32>,
          %jit3A_607 = arith.constant 2 : i32
          %eq3A_608 = arith.constant 0 : i32
          %eq3A_609 = arith.cmpi eq, %jit3A_607, %eq3A_608 : i32
          %jit3A_610 = arith.constant 1 : i32
          %select_n3A_611 = arith.select %eq3A_609, %jit3A_610, %jit3A_607 : i32
          %rem3A_612 = arith.remsi %scan3A_98, %select_n3A_611 : i32
          %ne3A_613 = arith.constant 0 : i32
          %ne3A_614 = arith.cmpi ne, %rem3A_612, %ne3A_613 : i32
          %lt3A_615 = arith.constant 0 : i32
          %lt3A_616 = arith.cmpi slt, %rem3A_612, %lt3A_615 : i32
          %lt3A_617 = arith.constant 0 : i32
          %lt3A_618 = arith.cmpi slt, %select_n3A_611, %lt3A_617 : i32
          %ne3A_619 = arith.xori %lt3A_616, %lt3A_618 : i1
          %and3A_620 = arith.andi %ne3A_619, %ne3A_614 : i1
          %add3A_621 = arith.addi %rem3A_612, %select_n3A_611 : i32
          %select_n3A_622 = arith.select %and3A_620, %add3A_621, %rem3A_612 : i32
          %mul3A_623 = arith.constant 16 : i32
          %mul3A_624 = arith.muli %scan3A_598, %mul3A_623 : i32
          %swap3A_625 = arith.index_cast %select_n3A_622 : i32 to index
          %swap3A_626 = arith.index_cast %mul3A_624 : i32 to index
          %swap3A_627 = tpu.vector_load %arg7[%swap3A_625, %swap3A_626] {strides = array<i32>} : memref<2x4096xf32, #tpu.memory_space<vmem>>, vector<16xf32>,
          tpu.vector_store %arg7[%swap3A_625, %swap3A_626], %gather3A_606 {strides = array<i32>} : memref<2x4096xf32, #tpu.memory_space<vmem>>, vector<16xf32>,
        }
        %scan3A_107 = arith.constant 256 : i32
        %jit3A_108 = arith.constant 2 : i32
        %eq3A_109 = arith.constant 0 : i32
        %eq3A_110 = arith.cmpi eq, %jit3A_108, %eq3A_109 : i32
        %jit3A_111 = arith.constant 1 : i32
        %select_n3A_112 = arith.select %eq3A_110, %jit3A_111, %jit3A_108 : i32
        %rem3A_113 = arith.remsi %scan3A_98, %select_n3A_112 : i32
        %ne3A_114 = arith.constant 0 : i32
        %ne3A_115 = arith.cmpi ne, %rem3A_113, %ne3A_114 : i32
        %lt3A_116 = arith.constant 0 : i32
        %lt3A_117 = arith.cmpi slt, %rem3A_113, %lt3A_116 : i32
        %lt3A_118 = arith.constant 0 : i32
        %lt3A_119 = arith.cmpi slt, %select_n3A_112, %lt3A_118 : i32
        %ne3A_120 = arith.xori %lt3A_117, %lt3A_119 : i1
        %and3A_121 = arith.andi %ne3A_120, %ne3A_115 : i1
        %add3A_122 = arith.addi %rem3A_113, %select_n3A_112 : i32
        %select_n3A_123 = arith.select %and3A_121, %add3A_122, %rem3A_113 : i32
        %mul3A_124 = arith.constant 4096 : i32
        %mul3A_125 = arith.muli %scan3A_98, %mul3A_124 : i32
        %dma_start3A_126 = arith.constant 0 : i32
        %dma_start3A_127 = tpu.memref_slice %arg7[%select_n3A_123, %dma_start3A_126] : memref<2x4096xf32, #tpu.memory_space<vmem>> -> memref<1x4096xf32, #tpu.memory_space<vmem>>
        %dma_start3A_128 = tpu.memref_squeeze %dma_start3A_127 : memref<1x4096xf32, #tpu.memory_space<vmem>> -> memref<4096xf32, #tpu.memory_space<vmem>>
        %dma_start3A_129 = tpu.memref_slice %arg4[%add3A_68, %select_n3A_9, %mul3A_125] : memref<26x16x16384xf32, #tpu.memory_space<hbm>> -> memref<1x1x4096xf32, #tpu.memory_space<hbm>>
        %dma_start3A_130 = tpu.memref_squeeze %dma_start3A_129 : memref<1x1x4096xf32, #tpu.memory_space<hbm>> -> memref<4096xf32, #tpu.memory_space<hbm>>
        %dma_start3A_131 = tpu.memref_slice %arg4[%add3A_68, %select_n3A_9, %mul3A_125] : memref<26x16x16384xf32, #tpu.memory_space<hbm>> -> memref<1x1x4096xf32, #tpu.memory_space<hbm>>
        %dma_start3A_132 = tpu.memref_squeeze %dma_start3A_131 : memref<1x1x4096xf32, #tpu.memory_space<hbm>> -> memref<4096xf32, #tpu.memory_space<hbm>>
        %dma_start3A_133 = arith.constant 0 : i32
        %dma_start3A_134 = tpu.memref_slice %arg7[%select_n3A_123, %dma_start3A_133] : memref<2x4096xf32, #tpu.memory_space<vmem>> -> memref<1x4096xf32, #tpu.memory_space<vmem>>
        %dma_start3A_135 = tpu.memref_squeeze %dma_start3A_134 : memref<1x4096xf32, #tpu.memory_space<vmem>> -> memref<4096xf32, #tpu.memory_space<vmem>>
        tpu.enqueue_dma source(%dma_start3A_135 : memref<4096xf32, #tpu.memory_space<vmem>>) target(%dma_start3A_132 : memref<4096xf32, #tpu.memory_space<hbm>>) target_semaphore(%arg9 : memref<!tpu.dma_semaphore, #tpu.memory_space<semaphore_mem>>)
      }
      %scan3A_97 = arith.constant 4 : i32
    }
    %scan3A_37 = arith.constant 13 : i32
    %dma_wait3A = arith.constant 0 : i32
    %dma_wait3A_38 = arith.constant 0 : i32
    %dma_wait3A_39 = arith.constant 0 : i32
    %dma_wait3A_40 = arith.constant 0 : i32
    %dma_wait3A_41 = tpu.memref_slice %arg7[%dma_wait3A, %dma_wait3A_40] : memref<2x4096xf32, #tpu.memory_space<vmem>> -> memref<1x4096xf32, #tpu.memory_space<vmem>>
    %dma_wait3A_42 = tpu.memref_squeeze %dma_wait3A_41 : memref<1x4096xf32, #tpu.memory_space<vmem>> -> memref<4096xf32, #tpu.memory_space<vmem>>
    %dma_wait3A_43 = arith.constant 0 : i32
    %dma_wait3A_44 = tpu.memref_slice %arg4[%dma_wait3A_38, %dma_wait3A_39, %dma_wait3A_43] : memref<26x16x16384xf32, #tpu.memory_space<hbm>> -> memref<1x1x4096xf32, #tpu.memory_space<hbm>>
    %dma_wait3A_45 = tpu.memref_squeeze %dma_wait3A_44 : memref<1x1x4096xf32, #tpu.memory_space<hbm>> -> memref<4096xf32, #tpu.memory_space<hbm>>
    %dma_wait3A_46 = arith.constant 0 : i32
    %dma_wait3A_47 = tpu.memref_slice %arg4[%dma_wait3A_38, %dma_wait3A_39, %dma_wait3A_46] : memref<26x16x16384xf32, #tpu.memory_space<hbm>> -> memref<1x1x4096xf32, #tpu.memory_space<hbm>>
    %dma_wait3A_48 = tpu.memref_squeeze %dma_wait3A_47 : memref<1x1x4096xf32, #tpu.memory_space<hbm>> -> memref<4096xf32, #tpu.memory_space<hbm>>
    %dma_wait3A_49 = arith.constant 0 : i32
    %dma_wait3A_50 = tpu.memref_slice %arg7[%dma_wait3A, %dma_wait3A_49] : memref<2x4096xf32, #tpu.memory_space<vmem>> -> memref<1x4096xf32, #tpu.memory_space<vmem>>
    %dma_wait3A_51 = tpu.memref_squeeze %dma_wait3A_50 : memref<1x4096xf32, #tpu.memory_space<vmem>> -> memref<4096xf32, #tpu.memory_space<vmem>>
    tpu.wait_dma2 semaphore(%arg9 : memref<!tpu.dma_semaphore, #tpu.memory_space<semaphore_mem>>) src(%dma_wait3A_51 : memref<4096xf32, #tpu.memory_space<vmem>>) dst(%dma_wait3A_48 : memref<4096xf32, #tpu.memory_space<hbm>>)
    %dma_wait3A_52 = arith.constant 1 : i32
    %dma_wait3A_53 = arith.constant 0 : i32
    %dma_wait3A_54 = arith.constant 0 : i32
    %dma_wait3A_55 = arith.constant 0 : i32
    %dma_wait3A_56 = tpu.memref_slice %arg7[%dma_wait3A_52, %dma_wait3A_55] : memref<2x4096xf32, #tpu.memory_space<vmem>> -> memref<1x4096xf32, #tpu.memory_space<vmem>>
    %dma_wait3A_57 = tpu.memref_squeeze %dma_wait3A_56 : memref<1x4096xf32, #tpu.memory_space<vmem>> -> memref<4096xf32, #tpu.memory_space<vmem>>
    %dma_wait3A_58 = arith.constant 0 : i32
    %dma_wait3A_59 = tpu.memref_slice %arg4[%dma_wait3A_53, %dma_wait3A_54, %dma_wait3A_58] : memref<26x16x16384xf32, #tpu.memory_space<hbm>> -> memref<1x1x4096xf32, #tpu.memory_space<hbm>>
    %dma_wait3A_60 = tpu.memref_squeeze %dma_wait3A_59 : memref<1x1x4096xf32, #tpu.memory_space<hbm>> -> memref<4096xf32, #tpu.memory_space<hbm>>
    %dma_wait3A_61 = arith.constant 0 : i32
    %dma_wait3A_62 = tpu.memref_slice %arg4[%dma_wait3A_53, %dma_wait3A_54, %dma_wait3A_61] : memref<26x16x16384xf32, #tpu.memory_space<hbm>> -> memref<1x1x4096xf32, #tpu.memory_space<hbm>>
    %dma_wait3A_63 = tpu.memref_squeeze %dma_wait3A_62 : memref<1x1x4096xf32, #tpu.memory_space<hbm>> -> memref<4096xf32, #tpu.memory_space<hbm>>
    %dma_wait3A_64 = arith.constant 0 : i32
    %dma_wait3A_65 = tpu.memref_slice %arg7[%dma_wait3A_52, %dma_wait3A_64] : memref<2x4096xf32, #tpu.memory_space<vmem>> -> memref<1x4096xf32, #tpu.memory_space<vmem>>
    %dma_wait3A_66 = tpu.memref_squeeze %dma_wait3A_65 : memref<1x4096xf32, #tpu.memory_space<vmem>> -> memref<4096xf32, #tpu.memory_space<vmem>>
    tpu.wait_dma2 semaphore(%arg9 : memref<!tpu.dma_semaphore, #tpu.memory_space<semaphore_mem>>) src(%dma_wait3A_66 : memref<4096xf32, #tpu.memory_space<vmem>>) dst(%dma_wait3A_63 : memref<4096xf32, #tpu.memory_space<hbm>>)
    return
  }
}

#map = affine_map<(d0, d1) -> (0, 0)>
#map1 = affine_map<(d0, d1) -> (0, 0, 0)>
module attributes {stable_mosaic.version = 14 : i64} {
  func.func @_sc_body(%arg0: i32, %arg1: i32, %arg2: memref<26x16384xi32, #tpu.memory_space<hbm>>, %arg3: memref<26x16x100000xf32, #tpu.memory_space<hbm>>, %arg4: memref<26x16x16384xf32, #tpu.memory_space<hbm>>, %arg5: memref<100000xf32, #tpu.memory_space<vmem>>, %arg6: memref<16384xi32, #tpu.memory_space<vmem>>, %arg7: memref<2x4096xf32, #tpu.memory_space<vmem>>, %arg8: memref<!tpu.dma_semaphore, #tpu.memory_space<semaphore_mem>>, %arg9: memref<!tpu.dma_semaphore, #tpu.memory_space<semaphore_mem>>) attributes {dimension_semantics = [#tpu.dimension_semantics<core_parallel>, #tpu.dimension_semantics<subcore_parallel>], iteration_bounds = array<i64: 2, 16>, scalar_prefetch = 0 : i64, scratch_operands = 5 : i64, tpu.core_type = #tpu.core_type<sc_vector_subcore>, window_params = [{transform_indices = #map}, {transform_indices = #map1}, {transform_indices = #map1}]} {
    %mul3A = arith.constant 2 : i32
    %mul3A_0 = arith.muli %arg1, %mul3A : i32
    %add3A = arith.addi %mul3A_0, %arg0 : i32
    %jit3A = arith.constant 16 : i32
    %eq3A = arith.constant 0 : i32
    %eq3A_1 = arith.cmpi eq, %jit3A, %eq3A : i32
    %jit3A_2 = arith.constant 1 : i32
    %select_n3A = arith.select %eq3A_1, %jit3A_2, %jit3A : i32
    %rem3A = arith.remsi %add3A, %select_n3A : i32
    %ne3A = arith.constant 0 : i32
    %ne3A_3 = arith.cmpi ne, %rem3A, %ne3A : i32
    %lt3A = arith.constant 0 : i32
    %lt3A_4 = arith.cmpi slt, %rem3A, %lt3A : i32
    %lt3A_5 = arith.constant 0 : i32
    %lt3A_6 = arith.cmpi slt, %select_n3A, %lt3A_5 : i32
    %ne3A_7 = arith.xori %lt3A_4, %lt3A_6 : i1
    %and3A = arith.andi %ne3A_7, %ne3A_3 : i1
    %add3A_8 = arith.addi %rem3A, %select_n3A : i32
    %select_n3A_9 = arith.select %and3A, %add3A_8, %rem3A : i32
    %jit3A_10 = arith.constant 16 : i32
    %div3A = arith.divsi %add3A, %jit3A_10 : i32
    %sign3A = arith.constant 0 : i32
    %sign3A_11 = arith.cmpi sgt, %add3A, %sign3A : i32
    %sign3A_12 = arith.extui %sign3A_11 : i1 to i32
    %sign3A_13 = arith.constant 0 : i32
    %sign3A_14 = arith.cmpi slt, %add3A, %sign3A_13 : i32
    %sign3A_15 = arith.extui %sign3A_14 : i1 to i32
    %sign3A_16 = arith.subi %sign3A_12, %sign3A_15 : i32
    %sign3A_17 = arith.constant 0 : i32
    %sign3A_18 = arith.cmpi sgt, %jit3A_10, %sign3A_17 : i32
    %sign3A_19 = arith.extui %sign3A_18 : i1 to i32
    %sign3A_20 = arith.constant 0 : i32
    %sign3A_21 = arith.cmpi slt, %jit3A_10, %sign3A_20 : i32
    %sign3A_22 = arith.extui %sign3A_21 : i1 to i32
    %sign3A_23 = arith.subi %sign3A_19, %sign3A_22 : i32
    %ne3A_24 = arith.cmpi ne, %sign3A_16, %sign3A_23 : i32
    %rem3A_25 = arith.remsi %add3A, %jit3A_10 : i32
    %ne3A_26 = arith.constant 0 : i32
    %ne3A_27 = arith.cmpi ne, %rem3A_25, %ne3A_26 : i32
    %and3A_28 = arith.andi %ne3A_24, %ne3A_27 : i1
    %sub3A = arith.constant 1 : i32
    %sub3A_29 = arith.subi %div3A, %sub3A : i32
    %select_n3A_30 = arith.select %and3A_28, %sub3A_29, %div3A : i32
    %mul3A_31 = arith.constant 13 : i32
    %mul3A_32 = arith.muli %select_n3A_30, %mul3A_31 : i32
    %scan3A = arith.constant 0 : i32
    %scan3A_33 = arith.constant 0 : i32
    %scan3A_34 = arith.constant 13 : i32
    %scan3A_35 = arith.addi %scan3A_33, %scan3A_34 : i32
    %scan3A_36 = arith.constant 1 : i32
    scf.for %scan3A_67 = %scan3A_33 to %scan3A_35 step %scan3A_36  : i32 {
      %add3A_68 = arith.addi %mul3A_32, %scan3A_67 : i32
      %dma_start3A = arith.constant 0 : i32
      %dma_start3A_69 = tpu.memref_slice %arg3[%add3A_68, %select_n3A_9, %dma_start3A] : memref<26x16x100000xf32, #tpu.memory_space<hbm>> -> memref<1x1x100000xf32, #tpu.memory_space<hbm>>
      %dma_start3A_70 = tpu.memref_squeeze %dma_start3A_69 : memref<1x1x100000xf32, #tpu.memory_space<hbm>> -> memref<100000xf32, #tpu.memory_space<hbm>>
      %dma_start3A_71 = arith.constant 0 : i32
      %dma_start3A_72 = tpu.memref_slice %arg3[%add3A_68, %select_n3A_9, %dma_start3A_71] : memref<26x16x100000xf32, #tpu.memory_space<hbm>> -> memref<1x1x100000xf32, #tpu.memory_space<hbm>>
      %dma_start3A_73 = tpu.memref_squeeze %dma_start3A_72 : memref<1x1x100000xf32, #tpu.memory_space<hbm>> -> memref<100000xf32, #tpu.memory_space<hbm>>
      tpu.enqueue_dma source(%dma_start3A_73 : memref<100000xf32, #tpu.memory_space<hbm>>) target(%arg5 : memref<100000xf32, #tpu.memory_space<vmem>>) target_semaphore(%arg8 : memref<!tpu.dma_semaphore, #tpu.memory_space<semaphore_mem>>)
      %dma_start3A_74 = arith.constant 0 : i32
      %dma_start3A_75 = tpu.memref_slice %arg2[%add3A_68, %dma_start3A_74] : memref<26x16384xi32, #tpu.memory_space<hbm>> -> memref<1x16384xi32, #tpu.memory_space<hbm>>
      %dma_start3A_76 = tpu.memref_squeeze %dma_start3A_75 : memref<1x16384xi32, #tpu.memory_space<hbm>> -> memref<16384xi32, #tpu.memory_space<hbm>>
      %dma_start3A_77 = arith.constant 0 : i32
      %dma_start3A_78 = tpu.memref_slice %arg2[%add3A_68, %dma_start3A_77] : memref<26x16384xi32, #tpu.memory_space<hbm>> -> memref<1x16384xi32, #tpu.memory_space<hbm>>
      %dma_start3A_79 = tpu.memref_squeeze %dma_start3A_78 : memref<1x16384xi32, #tpu.memory_space<hbm>> -> memref<16384xi32, #tpu.memory_space<hbm>>
      tpu.enqueue_dma source(%dma_start3A_79 : memref<16384xi32, #tpu.memory_space<hbm>>) target(%arg6 : memref<16384xi32, #tpu.memory_space<vmem>>) target_semaphore(%arg8 : memref<!tpu.dma_semaphore, #tpu.memory_space<semaphore_mem>>)
      %dma_wait3A_80 = arith.constant 0 : i32
      %dma_wait3A_81 = tpu.memref_slice %arg3[%add3A_68, %select_n3A_9, %dma_wait3A_80] : memref<26x16x100000xf32, #tpu.memory_space<hbm>> -> memref<1x1x100000xf32, #tpu.memory_space<hbm>>
      %dma_wait3A_82 = tpu.memref_squeeze %dma_wait3A_81 : memref<1x1x100000xf32, #tpu.memory_space<hbm>> -> memref<100000xf32, #tpu.memory_space<hbm>>
      %dma_wait3A_83 = arith.constant 0 : i32
      %dma_wait3A_84 = tpu.memref_slice %arg3[%add3A_68, %select_n3A_9, %dma_wait3A_83] : memref<26x16x100000xf32, #tpu.memory_space<hbm>> -> memref<1x1x100000xf32, #tpu.memory_space<hbm>>
      %dma_wait3A_85 = tpu.memref_squeeze %dma_wait3A_84 : memref<1x1x100000xf32, #tpu.memory_space<hbm>> -> memref<100000xf32, #tpu.memory_space<hbm>>
      tpu.wait_dma2 semaphore(%arg8 : memref<!tpu.dma_semaphore, #tpu.memory_space<semaphore_mem>>) src(%dma_wait3A_85 : memref<100000xf32, #tpu.memory_space<hbm>>) dst(%arg5 : memref<100000xf32, #tpu.memory_space<vmem>>)
      %dma_wait3A_86 = arith.constant 0 : i32
      %dma_wait3A_87 = tpu.memref_slice %arg2[%add3A_68, %dma_wait3A_86] : memref<26x16384xi32, #tpu.memory_space<hbm>> -> memref<1x16384xi32, #tpu.memory_space<hbm>>
      %dma_wait3A_88 = tpu.memref_squeeze %dma_wait3A_87 : memref<1x16384xi32, #tpu.memory_space<hbm>> -> memref<16384xi32, #tpu.memory_space<hbm>>
      %dma_wait3A_89 = arith.constant 0 : i32
      %dma_wait3A_90 = tpu.memref_slice %arg2[%add3A_68, %dma_wait3A_89] : memref<26x16384xi32, #tpu.memory_space<hbm>> -> memref<1x16384xi32, #tpu.memory_space<hbm>>
      %dma_wait3A_91 = tpu.memref_squeeze %dma_wait3A_90 : memref<1x16384xi32, #tpu.memory_space<hbm>> -> memref<16384xi32, #tpu.memory_space<hbm>>
      tpu.wait_dma2 semaphore(%arg8 : memref<!tpu.dma_semaphore, #tpu.memory_space<semaphore_mem>>) src(%dma_wait3A_91 : memref<16384xi32, #tpu.memory_space<hbm>>) dst(%arg6 : memref<16384xi32, #tpu.memory_space<vmem>>)
      %scan3A_92 = arith.constant 0 : i32
      %scan3A_93 = arith.constant 0 : i32
      %scan3A_94 = arith.constant 4 : i32
      %scan3A_95 = arith.addi %scan3A_93, %scan3A_94 : i32
      %scan3A_96 = arith.constant 1 : i32
      scf.for %scan3A_98 = %scan3A_93 to %scan3A_95 step %scan3A_96  : i32 {
        %ge3A = arith.constant 2 : i32
        %ge3A_99 = arith.cmpi sge, %scan3A_98, %ge3A : i32
        %gt3A = arith.constant 0 : i32
        %gt3A_100 = arith.cmpi sgt, %scan3A_67, %gt3A : i32
        %or3A = arith.ori %ge3A_99, %gt3A_100 : i1
        %convert_element_type3A = arith.extui %or3A : i1 to i32
        %cond3A = arith.constant 0 : i32
        %cond3A_101 = arith.cmpi ne, %convert_element_type3A, %cond3A : i32
        scf.if %cond3A_101 {
          %jit3A_136 = arith.constant 2 : i32
          %eq3A_137 = arith.constant 0 : i32
          %eq3A_138 = arith.cmpi eq, %jit3A_136, %eq3A_137 : i32
          %jit3A_139 = arith.constant 1 : i32
          %select_n3A_140 = arith.select %eq3A_138, %jit3A_139, %jit3A_136 : i32
          %rem3A_141 = arith.remsi %scan3A_98, %select_n3A_140 : i32
          %ne3A_142 = arith.constant 0 : i32
          %ne3A_143 = arith.cmpi ne, %rem3A_141, %ne3A_142 : i32
          %lt3A_144 = arith.constant 0 : i32
          %lt3A_145 = arith.cmpi slt, %rem3A_141, %lt3A_144 : i32
          %lt3A_146 = arith.constant 0 : i32
          %lt3A_147 = arith.cmpi slt, %select_n3A_140, %lt3A_146 : i32
          %ne3A_148 = arith.xori %lt3A_145, %lt3A_147 : i1
          %and3A_149 = arith.andi %ne3A_148, %ne3A_143 : i1
          %add3A_150 = arith.addi %rem3A_141, %select_n3A_140 : i32
          %select_n3A_151 = arith.select %and3A_149, %add3A_150, %rem3A_141 : i32
          %dma_wait3A_152 = arith.constant 0 : i32
          %dma_wait3A_153 = arith.constant 0 : i32
          %dma_wait3A_154 = arith.constant 0 : i32
          %dma_wait3A_155 = tpu.memref_slice %arg7[%select_n3A_151, %dma_wait3A_154] : memref<2x4096xf32, #tpu.memory_space<vmem>> -> memref<1x4096xf32, #tpu.memory_space<vmem>>
          %dma_wait3A_156 = tpu.memref_squeeze %dma_wait3A_155 : memref<1x4096xf32, #tpu.memory_space<vmem>> -> memref<4096xf32, #tpu.memory_space<vmem>>
          %dma_wait3A_157 = arith.constant 0 : i32
          %dma_wait3A_158 = tpu.memref_slice %arg4[%dma_wait3A_152, %dma_wait3A_153, %dma_wait3A_157] : memref<26x16x16384xf32, #tpu.memory_space<hbm>> -> memref<1x1x4096xf32, #tpu.memory_space<hbm>>
          %dma_wait3A_159 = tpu.memref_squeeze %dma_wait3A_158 : memref<1x1x4096xf32, #tpu.memory_space<hbm>> -> memref<4096xf32, #tpu.memory_space<hbm>>
          %dma_wait3A_160 = arith.constant 0 : i32
          %dma_wait3A_161 = tpu.memref_slice %arg4[%dma_wait3A_152, %dma_wait3A_153, %dma_wait3A_160] : memref<26x16x16384xf32, #tpu.memory_space<hbm>> -> memref<1x1x4096xf32, #tpu.memory_space<hbm>>
          %dma_wait3A_162 = tpu.memref_squeeze %dma_wait3A_161 : memref<1x1x4096xf32, #tpu.memory_space<hbm>> -> memref<4096xf32, #tpu.memory_space<hbm>>
          %dma_wait3A_163 = arith.constant 0 : i32
          %dma_wait3A_164 = tpu.memref_slice %arg7[%select_n3A_151, %dma_wait3A_163] : memref<2x4096xf32, #tpu.memory_space<vmem>> -> memref<1x4096xf32, #tpu.memory_space<vmem>>
          %dma_wait3A_165 = tpu.memref_squeeze %dma_wait3A_164 : memref<1x4096xf32, #tpu.memory_space<vmem>> -> memref<4096xf32, #tpu.memory_space<vmem>>
          tpu.wait_dma2 semaphore(%arg9 : memref<!tpu.dma_semaphore, #tpu.memory_space<semaphore_mem>>) src(%dma_wait3A_165 : memref<4096xf32, #tpu.memory_space<vmem>>) dst(%dma_wait3A_162 : memref<4096xf32, #tpu.memory_space<hbm>>)
        } else {
        }
        %scan3A_102 = arith.constant 0 : i32
        %scan3A_103 = arith.constant 0 : i32
        %scan3A_104 = arith.constant 256 : i32
        %scan3A_105 = arith.addi %scan3A_103, %scan3A_104 : i32
        %scan3A_106 = arith.constant 16 : i32
        scf.for %scan3A_136 = %scan3A_103 to %scan3A_105 step %scan3A_106  : i32 {
          %mul3A_137 = arith.constant 4096 : i32
          %mul3A_138 = arith.muli %scan3A_98, %mul3A_137 : i32
          %mul3A_139 = arith.constant 16 : i32
          %mul3A_140 = arith.muli %scan3A_136, %mul3A_139 : i32
          %add3A_141 = arith.addi %mul3A_138, %mul3A_140 : i32
          %get3A = arith.index_cast %add3A_141 : i32 to index
          %get3A_142 = tpu.vector_load %arg6[%get3A] {strides = array<i32>} : memref<16384xi32, #tpu.memory_space<vmem>>, vector<16xi32>,
          %gather3A = tpu.vector_load_idx %arg5[%get3A_142] : memref<100000xf32, #tpu.memory_space<vmem>>[vector<16xi32>], vector<16xf32>,
          %jit3A_143 = arith.constant 2 : i32
          %eq3A_144 = arith.constant 0 : i32
          %eq3A_145 = arith.cmpi eq, %jit3A_143, %eq3A_144 : i32
          %jit3A_146 = arith.constant 1 : i32
          %select_n3A_147 = arith.select %eq3A_145, %jit3A_146, %jit3A_143 : i32
          %rem3A_148 = arith.remsi %scan3A_98, %select_n3A_147 : i32
          %ne3A_149 = arith.constant 0 : i32
          %ne3A_150 = arith.cmpi ne, %rem3A_148, %ne3A_149 : i32
          %lt3A_151 = arith.constant 0 : i32
          %lt3A_152 = arith.cmpi slt, %rem3A_148, %lt3A_151 : i32
          %lt3A_153 = arith.constant 0 : i32
          %lt3A_154 = arith.cmpi slt, %select_n3A_147, %lt3A_153 : i32
          %ne3A_155 = arith.xori %lt3A_152, %lt3A_154 : i1
          %and3A_156 = arith.andi %ne3A_155, %ne3A_150 : i1
          %add3A_157 = arith.addi %rem3A_148, %select_n3A_147 : i32
          %select_n3A_158 = arith.select %and3A_156, %add3A_157, %rem3A_148 : i32
          %mul3A_159 = arith.constant 16 : i32
          %mul3A_160 = arith.muli %scan3A_136, %mul3A_159 : i32
          %swap3A = arith.index_cast %select_n3A_158 : i32 to index
          %swap3A_161 = arith.index_cast %mul3A_160 : i32 to index
          %swap3A_162 = tpu.vector_load %arg7[%swap3A, %swap3A_161] {strides = array<i32>} : memref<2x4096xf32, #tpu.memory_space<vmem>>, vector<16xf32>,
          tpu.vector_store %arg7[%swap3A, %swap3A_161], %gather3A {strides = array<i32>} : memref<2x4096xf32, #tpu.memory_space<vmem>>, vector<16xf32>,
          %scan3A_163 = arith.constant 1 : i32
          %scan3A_164 = arith.addi %scan3A_136, %scan3A_163 : i32
          %mul3A_165 = arith.constant 4096 : i32
          %mul3A_166 = arith.muli %scan3A_98, %mul3A_165 : i32
          %mul3A_167 = arith.constant 16 : i32
          %mul3A_168 = arith.muli %scan3A_164, %mul3A_167 : i32
          %add3A_169 = arith.addi %mul3A_166, %mul3A_168 : i32
          %get3A_170 = arith.index_cast %add3A_169 : i32 to index
          %get3A_171 = tpu.vector_load %arg6[%get3A_170] {strides = array<i32>} : memref<16384xi32, #tpu.memory_space<vmem>>, vector<16xi32>,
          %gather3A_172 = tpu.vector_load_idx %arg5[%get3A_171] : memref<100000xf32, #tpu.memory_space<vmem>>[vector<16xi32>], vector<16xf32>,
          %jit3A_173 = arith.constant 2 : i32
          %eq3A_174 = arith.constant 0 : i32
          %eq3A_175 = arith.cmpi eq, %jit3A_173, %eq3A_174 : i32
          %jit3A_176 = arith.constant 1 : i32
          %select_n3A_177 = arith.select %eq3A_175, %jit3A_176, %jit3A_173 : i32
          %rem3A_178 = arith.remsi %scan3A_98, %select_n3A_177 : i32
          %ne3A_179 = arith.constant 0 : i32
          %ne3A_180 = arith.cmpi ne, %rem3A_178, %ne3A_179 : i32
          %lt3A_181 = arith.constant 0 : i32
          %lt3A_182 = arith.cmpi slt, %rem3A_178, %lt3A_181 : i32
          %lt3A_183 = arith.constant 0 : i32
          %lt3A_184 = arith.cmpi slt, %select_n3A_177, %lt3A_183 : i32
          %ne3A_185 = arith.xori %lt3A_182, %lt3A_184 : i1
          %and3A_186 = arith.andi %ne3A_185, %ne3A_180 : i1
          %add3A_187 = arith.addi %rem3A_178, %select_n3A_177 : i32
          %select_n3A_188 = arith.select %and3A_186, %add3A_187, %rem3A_178 : i32
          %mul3A_189 = arith.constant 16 : i32
          %mul3A_190 = arith.muli %scan3A_164, %mul3A_189 : i32
          %swap3A_191 = arith.index_cast %select_n3A_188 : i32 to index
          %swap3A_192 = arith.index_cast %mul3A_190 : i32 to index
          %swap3A_193 = tpu.vector_load %arg7[%swap3A_191, %swap3A_192] {strides = array<i32>} : memref<2x4096xf32, #tpu.memory_space<vmem>>, vector<16xf32>,
          tpu.vector_store %arg7[%swap3A_191, %swap3A_192], %gather3A_172 {strides = array<i32>} : memref<2x4096xf32, #tpu.memory_space<vmem>>, vector<16xf32>,
          %scan3A_194 = arith.constant 2 : i32
          %scan3A_195 = arith.addi %scan3A_136, %scan3A_194 : i32
          %mul3A_196 = arith.constant 4096 : i32
          %mul3A_197 = arith.muli %scan3A_98, %mul3A_196 : i32
          %mul3A_198 = arith.constant 16 : i32
          %mul3A_199 = arith.muli %scan3A_195, %mul3A_198 : i32
          %add3A_200 = arith.addi %mul3A_197, %mul3A_199 : i32
          %get3A_201 = arith.index_cast %add3A_200 : i32 to index
          %get3A_202 = tpu.vector_load %arg6[%get3A_201] {strides = array<i32>} : memref<16384xi32, #tpu.memory_space<vmem>>, vector<16xi32>,
          %gather3A_203 = tpu.vector_load_idx %arg5[%get3A_202] : memref<100000xf32, #tpu.memory_space<vmem>>[vector<16xi32>], vector<16xf32>,
          %jit3A_204 = arith.constant 2 : i32
          %eq3A_205 = arith.constant 0 : i32
          %eq3A_206 = arith.cmpi eq, %jit3A_204, %eq3A_205 : i32
          %jit3A_207 = arith.constant 1 : i32
          %select_n3A_208 = arith.select %eq3A_206, %jit3A_207, %jit3A_204 : i32
          %rem3A_209 = arith.remsi %scan3A_98, %select_n3A_208 : i32
          %ne3A_210 = arith.constant 0 : i32
          %ne3A_211 = arith.cmpi ne, %rem3A_209, %ne3A_210 : i32
          %lt3A_212 = arith.constant 0 : i32
          %lt3A_213 = arith.cmpi slt, %rem3A_209, %lt3A_212 : i32
          %lt3A_214 = arith.constant 0 : i32
          %lt3A_215 = arith.cmpi slt, %select_n3A_208, %lt3A_214 : i32
          %ne3A_216 = arith.xori %lt3A_213, %lt3A_215 : i1
          %and3A_217 = arith.andi %ne3A_216, %ne3A_211 : i1
          %add3A_218 = arith.addi %rem3A_209, %select_n3A_208 : i32
          %select_n3A_219 = arith.select %and3A_217, %add3A_218, %rem3A_209 : i32
          %mul3A_220 = arith.constant 16 : i32
          %mul3A_221 = arith.muli %scan3A_195, %mul3A_220 : i32
          %swap3A_222 = arith.index_cast %select_n3A_219 : i32 to index
          %swap3A_223 = arith.index_cast %mul3A_221 : i32 to index
          %swap3A_224 = tpu.vector_load %arg7[%swap3A_222, %swap3A_223] {strides = array<i32>} : memref<2x4096xf32, #tpu.memory_space<vmem>>, vector<16xf32>,
          tpu.vector_store %arg7[%swap3A_222, %swap3A_223], %gather3A_203 {strides = array<i32>} : memref<2x4096xf32, #tpu.memory_space<vmem>>, vector<16xf32>,
          %scan3A_225 = arith.constant 3 : i32
          %scan3A_226 = arith.addi %scan3A_136, %scan3A_225 : i32
          %mul3A_227 = arith.constant 4096 : i32
          %mul3A_228 = arith.muli %scan3A_98, %mul3A_227 : i32
          %mul3A_229 = arith.constant 16 : i32
          %mul3A_230 = arith.muli %scan3A_226, %mul3A_229 : i32
          %add3A_231 = arith.addi %mul3A_228, %mul3A_230 : i32
          %get3A_232 = arith.index_cast %add3A_231 : i32 to index
          %get3A_233 = tpu.vector_load %arg6[%get3A_232] {strides = array<i32>} : memref<16384xi32, #tpu.memory_space<vmem>>, vector<16xi32>,
          %gather3A_234 = tpu.vector_load_idx %arg5[%get3A_233] : memref<100000xf32, #tpu.memory_space<vmem>>[vector<16xi32>], vector<16xf32>,
          %jit3A_235 = arith.constant 2 : i32
          %eq3A_236 = arith.constant 0 : i32
          %eq3A_237 = arith.cmpi eq, %jit3A_235, %eq3A_236 : i32
          %jit3A_238 = arith.constant 1 : i32
          %select_n3A_239 = arith.select %eq3A_237, %jit3A_238, %jit3A_235 : i32
          %rem3A_240 = arith.remsi %scan3A_98, %select_n3A_239 : i32
          %ne3A_241 = arith.constant 0 : i32
          %ne3A_242 = arith.cmpi ne, %rem3A_240, %ne3A_241 : i32
          %lt3A_243 = arith.constant 0 : i32
          %lt3A_244 = arith.cmpi slt, %rem3A_240, %lt3A_243 : i32
          %lt3A_245 = arith.constant 0 : i32
          %lt3A_246 = arith.cmpi slt, %select_n3A_239, %lt3A_245 : i32
          %ne3A_247 = arith.xori %lt3A_244, %lt3A_246 : i1
          %and3A_248 = arith.andi %ne3A_247, %ne3A_242 : i1
          %add3A_249 = arith.addi %rem3A_240, %select_n3A_239 : i32
          %select_n3A_250 = arith.select %and3A_248, %add3A_249, %rem3A_240 : i32
          %mul3A_251 = arith.constant 16 : i32
          %mul3A_252 = arith.muli %scan3A_226, %mul3A_251 : i32
          %swap3A_253 = arith.index_cast %select_n3A_250 : i32 to index
          %swap3A_254 = arith.index_cast %mul3A_252 : i32 to index
          %swap3A_255 = tpu.vector_load %arg7[%swap3A_253, %swap3A_254] {strides = array<i32>} : memref<2x4096xf32, #tpu.memory_space<vmem>>, vector<16xf32>,
          tpu.vector_store %arg7[%swap3A_253, %swap3A_254], %gather3A_234 {strides = array<i32>} : memref<2x4096xf32, #tpu.memory_space<vmem>>, vector<16xf32>,
          %scan3A_256 = arith.constant 4 : i32
          %scan3A_257 = arith.addi %scan3A_136, %scan3A_256 : i32
          %mul3A_258 = arith.constant 4096 : i32
          %mul3A_259 = arith.muli %scan3A_98, %mul3A_258 : i32
          %mul3A_260 = arith.constant 16 : i32
          %mul3A_261 = arith.muli %scan3A_257, %mul3A_260 : i32
          %add3A_262 = arith.addi %mul3A_259, %mul3A_261 : i32
          %get3A_263 = arith.index_cast %add3A_262 : i32 to index
          %get3A_264 = tpu.vector_load %arg6[%get3A_263] {strides = array<i32>} : memref<16384xi32, #tpu.memory_space<vmem>>, vector<16xi32>,
          %gather3A_265 = tpu.vector_load_idx %arg5[%get3A_264] : memref<100000xf32, #tpu.memory_space<vmem>>[vector<16xi32>], vector<16xf32>,
          %jit3A_266 = arith.constant 2 : i32
          %eq3A_267 = arith.constant 0 : i32
          %eq3A_268 = arith.cmpi eq, %jit3A_266, %eq3A_267 : i32
          %jit3A_269 = arith.constant 1 : i32
          %select_n3A_270 = arith.select %eq3A_268, %jit3A_269, %jit3A_266 : i32
          %rem3A_271 = arith.remsi %scan3A_98, %select_n3A_270 : i32
          %ne3A_272 = arith.constant 0 : i32
          %ne3A_273 = arith.cmpi ne, %rem3A_271, %ne3A_272 : i32
          %lt3A_274 = arith.constant 0 : i32
          %lt3A_275 = arith.cmpi slt, %rem3A_271, %lt3A_274 : i32
          %lt3A_276 = arith.constant 0 : i32
          %lt3A_277 = arith.cmpi slt, %select_n3A_270, %lt3A_276 : i32
          %ne3A_278 = arith.xori %lt3A_275, %lt3A_277 : i1
          %and3A_279 = arith.andi %ne3A_278, %ne3A_273 : i1
          %add3A_280 = arith.addi %rem3A_271, %select_n3A_270 : i32
          %select_n3A_281 = arith.select %and3A_279, %add3A_280, %rem3A_271 : i32
          %mul3A_282 = arith.constant 16 : i32
          %mul3A_283 = arith.muli %scan3A_257, %mul3A_282 : i32
          %swap3A_284 = arith.index_cast %select_n3A_281 : i32 to index
          %swap3A_285 = arith.index_cast %mul3A_283 : i32 to index
          %swap3A_286 = tpu.vector_load %arg7[%swap3A_284, %swap3A_285] {strides = array<i32>} : memref<2x4096xf32, #tpu.memory_space<vmem>>, vector<16xf32>,
          tpu.vector_store %arg7[%swap3A_284, %swap3A_285], %gather3A_265 {strides = array<i32>} : memref<2x4096xf32, #tpu.memory_space<vmem>>, vector<16xf32>,
          %scan3A_287 = arith.constant 5 : i32
          %scan3A_288 = arith.addi %scan3A_136, %scan3A_287 : i32
          %mul3A_289 = arith.constant 4096 : i32
          %mul3A_290 = arith.muli %scan3A_98, %mul3A_289 : i32
          %mul3A_291 = arith.constant 16 : i32
          %mul3A_292 = arith.muli %scan3A_288, %mul3A_291 : i32
          %add3A_293 = arith.addi %mul3A_290, %mul3A_292 : i32
          %get3A_294 = arith.index_cast %add3A_293 : i32 to index
          %get3A_295 = tpu.vector_load %arg6[%get3A_294] {strides = array<i32>} : memref<16384xi32, #tpu.memory_space<vmem>>, vector<16xi32>,
          %gather3A_296 = tpu.vector_load_idx %arg5[%get3A_295] : memref<100000xf32, #tpu.memory_space<vmem>>[vector<16xi32>], vector<16xf32>,
          %jit3A_297 = arith.constant 2 : i32
          %eq3A_298 = arith.constant 0 : i32
          %eq3A_299 = arith.cmpi eq, %jit3A_297, %eq3A_298 : i32
          %jit3A_300 = arith.constant 1 : i32
          %select_n3A_301 = arith.select %eq3A_299, %jit3A_300, %jit3A_297 : i32
          %rem3A_302 = arith.remsi %scan3A_98, %select_n3A_301 : i32
          %ne3A_303 = arith.constant 0 : i32
          %ne3A_304 = arith.cmpi ne, %rem3A_302, %ne3A_303 : i32
          %lt3A_305 = arith.constant 0 : i32
          %lt3A_306 = arith.cmpi slt, %rem3A_302, %lt3A_305 : i32
          %lt3A_307 = arith.constant 0 : i32
          %lt3A_308 = arith.cmpi slt, %select_n3A_301, %lt3A_307 : i32
          %ne3A_309 = arith.xori %lt3A_306, %lt3A_308 : i1
          %and3A_310 = arith.andi %ne3A_309, %ne3A_304 : i1
          %add3A_311 = arith.addi %rem3A_302, %select_n3A_301 : i32
          %select_n3A_312 = arith.select %and3A_310, %add3A_311, %rem3A_302 : i32
          %mul3A_313 = arith.constant 16 : i32
          %mul3A_314 = arith.muli %scan3A_288, %mul3A_313 : i32
          %swap3A_315 = arith.index_cast %select_n3A_312 : i32 to index
          %swap3A_316 = arith.index_cast %mul3A_314 : i32 to index
          %swap3A_317 = tpu.vector_load %arg7[%swap3A_315, %swap3A_316] {strides = array<i32>} : memref<2x4096xf32, #tpu.memory_space<vmem>>, vector<16xf32>,
          tpu.vector_store %arg7[%swap3A_315, %swap3A_316], %gather3A_296 {strides = array<i32>} : memref<2x4096xf32, #tpu.memory_space<vmem>>, vector<16xf32>,
          %scan3A_318 = arith.constant 6 : i32
          %scan3A_319 = arith.addi %scan3A_136, %scan3A_318 : i32
          %mul3A_320 = arith.constant 4096 : i32
          %mul3A_321 = arith.muli %scan3A_98, %mul3A_320 : i32
          %mul3A_322 = arith.constant 16 : i32
          %mul3A_323 = arith.muli %scan3A_319, %mul3A_322 : i32
          %add3A_324 = arith.addi %mul3A_321, %mul3A_323 : i32
          %get3A_325 = arith.index_cast %add3A_324 : i32 to index
          %get3A_326 = tpu.vector_load %arg6[%get3A_325] {strides = array<i32>} : memref<16384xi32, #tpu.memory_space<vmem>>, vector<16xi32>,
          %gather3A_327 = tpu.vector_load_idx %arg5[%get3A_326] : memref<100000xf32, #tpu.memory_space<vmem>>[vector<16xi32>], vector<16xf32>,
          %jit3A_328 = arith.constant 2 : i32
          %eq3A_329 = arith.constant 0 : i32
          %eq3A_330 = arith.cmpi eq, %jit3A_328, %eq3A_329 : i32
          %jit3A_331 = arith.constant 1 : i32
          %select_n3A_332 = arith.select %eq3A_330, %jit3A_331, %jit3A_328 : i32
          %rem3A_333 = arith.remsi %scan3A_98, %select_n3A_332 : i32
          %ne3A_334 = arith.constant 0 : i32
          %ne3A_335 = arith.cmpi ne, %rem3A_333, %ne3A_334 : i32
          %lt3A_336 = arith.constant 0 : i32
          %lt3A_337 = arith.cmpi slt, %rem3A_333, %lt3A_336 : i32
          %lt3A_338 = arith.constant 0 : i32
          %lt3A_339 = arith.cmpi slt, %select_n3A_332, %lt3A_338 : i32
          %ne3A_340 = arith.xori %lt3A_337, %lt3A_339 : i1
          %and3A_341 = arith.andi %ne3A_340, %ne3A_335 : i1
          %add3A_342 = arith.addi %rem3A_333, %select_n3A_332 : i32
          %select_n3A_343 = arith.select %and3A_341, %add3A_342, %rem3A_333 : i32
          %mul3A_344 = arith.constant 16 : i32
          %mul3A_345 = arith.muli %scan3A_319, %mul3A_344 : i32
          %swap3A_346 = arith.index_cast %select_n3A_343 : i32 to index
          %swap3A_347 = arith.index_cast %mul3A_345 : i32 to index
          %swap3A_348 = tpu.vector_load %arg7[%swap3A_346, %swap3A_347] {strides = array<i32>} : memref<2x4096xf32, #tpu.memory_space<vmem>>, vector<16xf32>,
          tpu.vector_store %arg7[%swap3A_346, %swap3A_347], %gather3A_327 {strides = array<i32>} : memref<2x4096xf32, #tpu.memory_space<vmem>>, vector<16xf32>,
          %scan3A_349 = arith.constant 7 : i32
          %scan3A_350 = arith.addi %scan3A_136, %scan3A_349 : i32
          %mul3A_351 = arith.constant 4096 : i32
          %mul3A_352 = arith.muli %scan3A_98, %mul3A_351 : i32
          %mul3A_353 = arith.constant 16 : i32
          %mul3A_354 = arith.muli %scan3A_350, %mul3A_353 : i32
          %add3A_355 = arith.addi %mul3A_352, %mul3A_354 : i32
          %get3A_356 = arith.index_cast %add3A_355 : i32 to index
          %get3A_357 = tpu.vector_load %arg6[%get3A_356] {strides = array<i32>} : memref<16384xi32, #tpu.memory_space<vmem>>, vector<16xi32>,
          %gather3A_358 = tpu.vector_load_idx %arg5[%get3A_357] : memref<100000xf32, #tpu.memory_space<vmem>>[vector<16xi32>], vector<16xf32>,
          %jit3A_359 = arith.constant 2 : i32
          %eq3A_360 = arith.constant 0 : i32
          %eq3A_361 = arith.cmpi eq, %jit3A_359, %eq3A_360 : i32
          %jit3A_362 = arith.constant 1 : i32
          %select_n3A_363 = arith.select %eq3A_361, %jit3A_362, %jit3A_359 : i32
          %rem3A_364 = arith.remsi %scan3A_98, %select_n3A_363 : i32
          %ne3A_365 = arith.constant 0 : i32
          %ne3A_366 = arith.cmpi ne, %rem3A_364, %ne3A_365 : i32
          %lt3A_367 = arith.constant 0 : i32
          %lt3A_368 = arith.cmpi slt, %rem3A_364, %lt3A_367 : i32
          %lt3A_369 = arith.constant 0 : i32
          %lt3A_370 = arith.cmpi slt, %select_n3A_363, %lt3A_369 : i32
          %ne3A_371 = arith.xori %lt3A_368, %lt3A_370 : i1
          %and3A_372 = arith.andi %ne3A_371, %ne3A_366 : i1
          %add3A_373 = arith.addi %rem3A_364, %select_n3A_363 : i32
          %select_n3A_374 = arith.select %and3A_372, %add3A_373, %rem3A_364 : i32
          %mul3A_375 = arith.constant 16 : i32
          %mul3A_376 = arith.muli %scan3A_350, %mul3A_375 : i32
          %swap3A_377 = arith.index_cast %select_n3A_374 : i32 to index
          %swap3A_378 = arith.index_cast %mul3A_376 : i32 to index
          %swap3A_379 = tpu.vector_load %arg7[%swap3A_377, %swap3A_378] {strides = array<i32>} : memref<2x4096xf32, #tpu.memory_space<vmem>>, vector<16xf32>,
          tpu.vector_store %arg7[%swap3A_377, %swap3A_378], %gather3A_358 {strides = array<i32>} : memref<2x4096xf32, #tpu.memory_space<vmem>>, vector<16xf32>,
          %scan3A_380 = arith.constant 8 : i32
          %scan3A_381 = arith.addi %scan3A_136, %scan3A_380 : i32
          %mul3A_382 = arith.constant 4096 : i32
          %mul3A_383 = arith.muli %scan3A_98, %mul3A_382 : i32
          %mul3A_384 = arith.constant 16 : i32
          %mul3A_385 = arith.muli %scan3A_381, %mul3A_384 : i32
          %add3A_386 = arith.addi %mul3A_383, %mul3A_385 : i32
          %get3A_387 = arith.index_cast %add3A_386 : i32 to index
          %get3A_388 = tpu.vector_load %arg6[%get3A_387] {strides = array<i32>} : memref<16384xi32, #tpu.memory_space<vmem>>, vector<16xi32>,
          %gather3A_389 = tpu.vector_load_idx %arg5[%get3A_388] : memref<100000xf32, #tpu.memory_space<vmem>>[vector<16xi32>], vector<16xf32>,
          %jit3A_390 = arith.constant 2 : i32
          %eq3A_391 = arith.constant 0 : i32
          %eq3A_392 = arith.cmpi eq, %jit3A_390, %eq3A_391 : i32
          %jit3A_393 = arith.constant 1 : i32
          %select_n3A_394 = arith.select %eq3A_392, %jit3A_393, %jit3A_390 : i32
          %rem3A_395 = arith.remsi %scan3A_98, %select_n3A_394 : i32
          %ne3A_396 = arith.constant 0 : i32
          %ne3A_397 = arith.cmpi ne, %rem3A_395, %ne3A_396 : i32
          %lt3A_398 = arith.constant 0 : i32
          %lt3A_399 = arith.cmpi slt, %rem3A_395, %lt3A_398 : i32
          %lt3A_400 = arith.constant 0 : i32
          %lt3A_401 = arith.cmpi slt, %select_n3A_394, %lt3A_400 : i32
          %ne3A_402 = arith.xori %lt3A_399, %lt3A_401 : i1
          %and3A_403 = arith.andi %ne3A_402, %ne3A_397 : i1
          %add3A_404 = arith.addi %rem3A_395, %select_n3A_394 : i32
          %select_n3A_405 = arith.select %and3A_403, %add3A_404, %rem3A_395 : i32
          %mul3A_406 = arith.constant 16 : i32
          %mul3A_407 = arith.muli %scan3A_381, %mul3A_406 : i32
          %swap3A_408 = arith.index_cast %select_n3A_405 : i32 to index
          %swap3A_409 = arith.index_cast %mul3A_407 : i32 to index
          %swap3A_410 = tpu.vector_load %arg7[%swap3A_408, %swap3A_409] {strides = array<i32>} : memref<2x4096xf32, #tpu.memory_space<vmem>>, vector<16xf32>,
          tpu.vector_store %arg7[%swap3A_408, %swap3A_409], %gather3A_389 {strides = array<i32>} : memref<2x4096xf32, #tpu.memory_space<vmem>>, vector<16xf32>,
          %scan3A_411 = arith.constant 9 : i32
          %scan3A_412 = arith.addi %scan3A_136, %scan3A_411 : i32
          %mul3A_413 = arith.constant 4096 : i32
          %mul3A_414 = arith.muli %scan3A_98, %mul3A_413 : i32
          %mul3A_415 = arith.constant 16 : i32
          %mul3A_416 = arith.muli %scan3A_412, %mul3A_415 : i32
          %add3A_417 = arith.addi %mul3A_414, %mul3A_416 : i32
          %get3A_418 = arith.index_cast %add3A_417 : i32 to index
          %get3A_419 = tpu.vector_load %arg6[%get3A_418] {strides = array<i32>} : memref<16384xi32, #tpu.memory_space<vmem>>, vector<16xi32>,
          %gather3A_420 = tpu.vector_load_idx %arg5[%get3A_419] : memref<100000xf32, #tpu.memory_space<vmem>>[vector<16xi32>], vector<16xf32>,
          %jit3A_421 = arith.constant 2 : i32
          %eq3A_422 = arith.constant 0 : i32
          %eq3A_423 = arith.cmpi eq, %jit3A_421, %eq3A_422 : i32
          %jit3A_424 = arith.constant 1 : i32
          %select_n3A_425 = arith.select %eq3A_423, %jit3A_424, %jit3A_421 : i32
          %rem3A_426 = arith.remsi %scan3A_98, %select_n3A_425 : i32
          %ne3A_427 = arith.constant 0 : i32
          %ne3A_428 = arith.cmpi ne, %rem3A_426, %ne3A_427 : i32
          %lt3A_429 = arith.constant 0 : i32
          %lt3A_430 = arith.cmpi slt, %rem3A_426, %lt3A_429 : i32
          %lt3A_431 = arith.constant 0 : i32
          %lt3A_432 = arith.cmpi slt, %select_n3A_425, %lt3A_431 : i32
          %ne3A_433 = arith.xori %lt3A_430, %lt3A_432 : i1
          %and3A_434 = arith.andi %ne3A_433, %ne3A_428 : i1
          %add3A_435 = arith.addi %rem3A_426, %select_n3A_425 : i32
          %select_n3A_436 = arith.select %and3A_434, %add3A_435, %rem3A_426 : i32
          %mul3A_437 = arith.constant 16 : i32
          %mul3A_438 = arith.muli %scan3A_412, %mul3A_437 : i32
          %swap3A_439 = arith.index_cast %select_n3A_436 : i32 to index
          %swap3A_440 = arith.index_cast %mul3A_438 : i32 to index
          %swap3A_441 = tpu.vector_load %arg7[%swap3A_439, %swap3A_440] {strides = array<i32>} : memref<2x4096xf32, #tpu.memory_space<vmem>>, vector<16xf32>,
          tpu.vector_store %arg7[%swap3A_439, %swap3A_440], %gather3A_420 {strides = array<i32>} : memref<2x4096xf32, #tpu.memory_space<vmem>>, vector<16xf32>,
          %scan3A_442 = arith.constant 10 : i32
          %scan3A_443 = arith.addi %scan3A_136, %scan3A_442 : i32
          %mul3A_444 = arith.constant 4096 : i32
          %mul3A_445 = arith.muli %scan3A_98, %mul3A_444 : i32
          %mul3A_446 = arith.constant 16 : i32
          %mul3A_447 = arith.muli %scan3A_443, %mul3A_446 : i32
          %add3A_448 = arith.addi %mul3A_445, %mul3A_447 : i32
          %get3A_449 = arith.index_cast %add3A_448 : i32 to index
          %get3A_450 = tpu.vector_load %arg6[%get3A_449] {strides = array<i32>} : memref<16384xi32, #tpu.memory_space<vmem>>, vector<16xi32>,
          %gather3A_451 = tpu.vector_load_idx %arg5[%get3A_450] : memref<100000xf32, #tpu.memory_space<vmem>>[vector<16xi32>], vector<16xf32>,
          %jit3A_452 = arith.constant 2 : i32
          %eq3A_453 = arith.constant 0 : i32
          %eq3A_454 = arith.cmpi eq, %jit3A_452, %eq3A_453 : i32
          %jit3A_455 = arith.constant 1 : i32
          %select_n3A_456 = arith.select %eq3A_454, %jit3A_455, %jit3A_452 : i32
          %rem3A_457 = arith.remsi %scan3A_98, %select_n3A_456 : i32
          %ne3A_458 = arith.constant 0 : i32
          %ne3A_459 = arith.cmpi ne, %rem3A_457, %ne3A_458 : i32
          %lt3A_460 = arith.constant 0 : i32
          %lt3A_461 = arith.cmpi slt, %rem3A_457, %lt3A_460 : i32
          %lt3A_462 = arith.constant 0 : i32
          %lt3A_463 = arith.cmpi slt, %select_n3A_456, %lt3A_462 : i32
          %ne3A_464 = arith.xori %lt3A_461, %lt3A_463 : i1
          %and3A_465 = arith.andi %ne3A_464, %ne3A_459 : i1
          %add3A_466 = arith.addi %rem3A_457, %select_n3A_456 : i32
          %select_n3A_467 = arith.select %and3A_465, %add3A_466, %rem3A_457 : i32
          %mul3A_468 = arith.constant 16 : i32
          %mul3A_469 = arith.muli %scan3A_443, %mul3A_468 : i32
          %swap3A_470 = arith.index_cast %select_n3A_467 : i32 to index
          %swap3A_471 = arith.index_cast %mul3A_469 : i32 to index
          %swap3A_472 = tpu.vector_load %arg7[%swap3A_470, %swap3A_471] {strides = array<i32>} : memref<2x4096xf32, #tpu.memory_space<vmem>>, vector<16xf32>,
          tpu.vector_store %arg7[%swap3A_470, %swap3A_471], %gather3A_451 {strides = array<i32>} : memref<2x4096xf32, #tpu.memory_space<vmem>>, vector<16xf32>,
          %scan3A_473 = arith.constant 11 : i32
          %scan3A_474 = arith.addi %scan3A_136, %scan3A_473 : i32
          %mul3A_475 = arith.constant 4096 : i32
          %mul3A_476 = arith.muli %scan3A_98, %mul3A_475 : i32
          %mul3A_477 = arith.constant 16 : i32
          %mul3A_478 = arith.muli %scan3A_474, %mul3A_477 : i32
          %add3A_479 = arith.addi %mul3A_476, %mul3A_478 : i32
          %get3A_480 = arith.index_cast %add3A_479 : i32 to index
          %get3A_481 = tpu.vector_load %arg6[%get3A_480] {strides = array<i32>} : memref<16384xi32, #tpu.memory_space<vmem>>, vector<16xi32>,
          %gather3A_482 = tpu.vector_load_idx %arg5[%get3A_481] : memref<100000xf32, #tpu.memory_space<vmem>>[vector<16xi32>], vector<16xf32>,
          %jit3A_483 = arith.constant 2 : i32
          %eq3A_484 = arith.constant 0 : i32
          %eq3A_485 = arith.cmpi eq, %jit3A_483, %eq3A_484 : i32
          %jit3A_486 = arith.constant 1 : i32
          %select_n3A_487 = arith.select %eq3A_485, %jit3A_486, %jit3A_483 : i32
          %rem3A_488 = arith.remsi %scan3A_98, %select_n3A_487 : i32
          %ne3A_489 = arith.constant 0 : i32
          %ne3A_490 = arith.cmpi ne, %rem3A_488, %ne3A_489 : i32
          %lt3A_491 = arith.constant 0 : i32
          %lt3A_492 = arith.cmpi slt, %rem3A_488, %lt3A_491 : i32
          %lt3A_493 = arith.constant 0 : i32
          %lt3A_494 = arith.cmpi slt, %select_n3A_487, %lt3A_493 : i32
          %ne3A_495 = arith.xori %lt3A_492, %lt3A_494 : i1
          %and3A_496 = arith.andi %ne3A_495, %ne3A_490 : i1
          %add3A_497 = arith.addi %rem3A_488, %select_n3A_487 : i32
          %select_n3A_498 = arith.select %and3A_496, %add3A_497, %rem3A_488 : i32
          %mul3A_499 = arith.constant 16 : i32
          %mul3A_500 = arith.muli %scan3A_474, %mul3A_499 : i32
          %swap3A_501 = arith.index_cast %select_n3A_498 : i32 to index
          %swap3A_502 = arith.index_cast %mul3A_500 : i32 to index
          %swap3A_503 = tpu.vector_load %arg7[%swap3A_501, %swap3A_502] {strides = array<i32>} : memref<2x4096xf32, #tpu.memory_space<vmem>>, vector<16xf32>,
          tpu.vector_store %arg7[%swap3A_501, %swap3A_502], %gather3A_482 {strides = array<i32>} : memref<2x4096xf32, #tpu.memory_space<vmem>>, vector<16xf32>,
          %scan3A_504 = arith.constant 12 : i32
          %scan3A_505 = arith.addi %scan3A_136, %scan3A_504 : i32
          %mul3A_506 = arith.constant 4096 : i32
          %mul3A_507 = arith.muli %scan3A_98, %mul3A_506 : i32
          %mul3A_508 = arith.constant 16 : i32
          %mul3A_509 = arith.muli %scan3A_505, %mul3A_508 : i32
          %add3A_510 = arith.addi %mul3A_507, %mul3A_509 : i32
          %get3A_511 = arith.index_cast %add3A_510 : i32 to index
          %get3A_512 = tpu.vector_load %arg6[%get3A_511] {strides = array<i32>} : memref<16384xi32, #tpu.memory_space<vmem>>, vector<16xi32>,
          %gather3A_513 = tpu.vector_load_idx %arg5[%get3A_512] : memref<100000xf32, #tpu.memory_space<vmem>>[vector<16xi32>], vector<16xf32>,
          %jit3A_514 = arith.constant 2 : i32
          %eq3A_515 = arith.constant 0 : i32
          %eq3A_516 = arith.cmpi eq, %jit3A_514, %eq3A_515 : i32
          %jit3A_517 = arith.constant 1 : i32
          %select_n3A_518 = arith.select %eq3A_516, %jit3A_517, %jit3A_514 : i32
          %rem3A_519 = arith.remsi %scan3A_98, %select_n3A_518 : i32
          %ne3A_520 = arith.constant 0 : i32
          %ne3A_521 = arith.cmpi ne, %rem3A_519, %ne3A_520 : i32
          %lt3A_522 = arith.constant 0 : i32
          %lt3A_523 = arith.cmpi slt, %rem3A_519, %lt3A_522 : i32
          %lt3A_524 = arith.constant 0 : i32
          %lt3A_525 = arith.cmpi slt, %select_n3A_518, %lt3A_524 : i32
          %ne3A_526 = arith.xori %lt3A_523, %lt3A_525 : i1
          %and3A_527 = arith.andi %ne3A_526, %ne3A_521 : i1
          %add3A_528 = arith.addi %rem3A_519, %select_n3A_518 : i32
          %select_n3A_529 = arith.select %and3A_527, %add3A_528, %rem3A_519 : i32
          %mul3A_530 = arith.constant 16 : i32
          %mul3A_531 = arith.muli %scan3A_505, %mul3A_530 : i32
          %swap3A_532 = arith.index_cast %select_n3A_529 : i32 to index
          %swap3A_533 = arith.index_cast %mul3A_531 : i32 to index
          %swap3A_534 = tpu.vector_load %arg7[%swap3A_532, %swap3A_533] {strides = array<i32>} : memref<2x4096xf32, #tpu.memory_space<vmem>>, vector<16xf32>,
          tpu.vector_store %arg7[%swap3A_532, %swap3A_533], %gather3A_513 {strides = array<i32>} : memref<2x4096xf32, #tpu.memory_space<vmem>>, vector<16xf32>,
          %scan3A_535 = arith.constant 13 : i32
          %scan3A_536 = arith.addi %scan3A_136, %scan3A_535 : i32
          %mul3A_537 = arith.constant 4096 : i32
          %mul3A_538 = arith.muli %scan3A_98, %mul3A_537 : i32
          %mul3A_539 = arith.constant 16 : i32
          %mul3A_540 = arith.muli %scan3A_536, %mul3A_539 : i32
          %add3A_541 = arith.addi %mul3A_538, %mul3A_540 : i32
          %get3A_542 = arith.index_cast %add3A_541 : i32 to index
          %get3A_543 = tpu.vector_load %arg6[%get3A_542] {strides = array<i32>} : memref<16384xi32, #tpu.memory_space<vmem>>, vector<16xi32>,
          %gather3A_544 = tpu.vector_load_idx %arg5[%get3A_543] : memref<100000xf32, #tpu.memory_space<vmem>>[vector<16xi32>], vector<16xf32>,
          %jit3A_545 = arith.constant 2 : i32
          %eq3A_546 = arith.constant 0 : i32
          %eq3A_547 = arith.cmpi eq, %jit3A_545, %eq3A_546 : i32
          %jit3A_548 = arith.constant 1 : i32
          %select_n3A_549 = arith.select %eq3A_547, %jit3A_548, %jit3A_545 : i32
          %rem3A_550 = arith.remsi %scan3A_98, %select_n3A_549 : i32
          %ne3A_551 = arith.constant 0 : i32
          %ne3A_552 = arith.cmpi ne, %rem3A_550, %ne3A_551 : i32
          %lt3A_553 = arith.constant 0 : i32
          %lt3A_554 = arith.cmpi slt, %rem3A_550, %lt3A_553 : i32
          %lt3A_555 = arith.constant 0 : i32
          %lt3A_556 = arith.cmpi slt, %select_n3A_549, %lt3A_555 : i32
          %ne3A_557 = arith.xori %lt3A_554, %lt3A_556 : i1
          %and3A_558 = arith.andi %ne3A_557, %ne3A_552 : i1
          %add3A_559 = arith.addi %rem3A_550, %select_n3A_549 : i32
          %select_n3A_560 = arith.select %and3A_558, %add3A_559, %rem3A_550 : i32
          %mul3A_561 = arith.constant 16 : i32
          %mul3A_562 = arith.muli %scan3A_536, %mul3A_561 : i32
          %swap3A_563 = arith.index_cast %select_n3A_560 : i32 to index
          %swap3A_564 = arith.index_cast %mul3A_562 : i32 to index
          %swap3A_565 = tpu.vector_load %arg7[%swap3A_563, %swap3A_564] {strides = array<i32>} : memref<2x4096xf32, #tpu.memory_space<vmem>>, vector<16xf32>,
          tpu.vector_store %arg7[%swap3A_563, %swap3A_564], %gather3A_544 {strides = array<i32>} : memref<2x4096xf32, #tpu.memory_space<vmem>>, vector<16xf32>,
          %scan3A_566 = arith.constant 14 : i32
          %scan3A_567 = arith.addi %scan3A_136, %scan3A_566 : i32
          %mul3A_568 = arith.constant 4096 : i32
          %mul3A_569 = arith.muli %scan3A_98, %mul3A_568 : i32
          %mul3A_570 = arith.constant 16 : i32
          %mul3A_571 = arith.muli %scan3A_567, %mul3A_570 : i32
          %add3A_572 = arith.addi %mul3A_569, %mul3A_571 : i32
          %get3A_573 = arith.index_cast %add3A_572 : i32 to index
          %get3A_574 = tpu.vector_load %arg6[%get3A_573] {strides = array<i32>} : memref<16384xi32, #tpu.memory_space<vmem>>, vector<16xi32>,
          %gather3A_575 = tpu.vector_load_idx %arg5[%get3A_574] : memref<100000xf32, #tpu.memory_space<vmem>>[vector<16xi32>], vector<16xf32>,
          %jit3A_576 = arith.constant 2 : i32
          %eq3A_577 = arith.constant 0 : i32
          %eq3A_578 = arith.cmpi eq, %jit3A_576, %eq3A_577 : i32
          %jit3A_579 = arith.constant 1 : i32
          %select_n3A_580 = arith.select %eq3A_578, %jit3A_579, %jit3A_576 : i32
          %rem3A_581 = arith.remsi %scan3A_98, %select_n3A_580 : i32
          %ne3A_582 = arith.constant 0 : i32
          %ne3A_583 = arith.cmpi ne, %rem3A_581, %ne3A_582 : i32
          %lt3A_584 = arith.constant 0 : i32
          %lt3A_585 = arith.cmpi slt, %rem3A_581, %lt3A_584 : i32
          %lt3A_586 = arith.constant 0 : i32
          %lt3A_587 = arith.cmpi slt, %select_n3A_580, %lt3A_586 : i32
          %ne3A_588 = arith.xori %lt3A_585, %lt3A_587 : i1
          %and3A_589 = arith.andi %ne3A_588, %ne3A_583 : i1
          %add3A_590 = arith.addi %rem3A_581, %select_n3A_580 : i32
          %select_n3A_591 = arith.select %and3A_589, %add3A_590, %rem3A_581 : i32
          %mul3A_592 = arith.constant 16 : i32
          %mul3A_593 = arith.muli %scan3A_567, %mul3A_592 : i32
          %swap3A_594 = arith.index_cast %select_n3A_591 : i32 to index
          %swap3A_595 = arith.index_cast %mul3A_593 : i32 to index
          %swap3A_596 = tpu.vector_load %arg7[%swap3A_594, %swap3A_595] {strides = array<i32>} : memref<2x4096xf32, #tpu.memory_space<vmem>>, vector<16xf32>,
          tpu.vector_store %arg7[%swap3A_594, %swap3A_595], %gather3A_575 {strides = array<i32>} : memref<2x4096xf32, #tpu.memory_space<vmem>>, vector<16xf32>,
          %scan3A_597 = arith.constant 15 : i32
          %scan3A_598 = arith.addi %scan3A_136, %scan3A_597 : i32
          %mul3A_599 = arith.constant 4096 : i32
          %mul3A_600 = arith.muli %scan3A_98, %mul3A_599 : i32
          %mul3A_601 = arith.constant 16 : i32
          %mul3A_602 = arith.muli %scan3A_598, %mul3A_601 : i32
          %add3A_603 = arith.addi %mul3A_600, %mul3A_602 : i32
          %get3A_604 = arith.index_cast %add3A_603 : i32 to index
          %get3A_605 = tpu.vector_load %arg6[%get3A_604] {strides = array<i32>} : memref<16384xi32, #tpu.memory_space<vmem>>, vector<16xi32>,
          %gather3A_606 = tpu.vector_load_idx %arg5[%get3A_605] : memref<100000xf32, #tpu.memory_space<vmem>>[vector<16xi32>], vector<16xf32>,
          %jit3A_607 = arith.constant 2 : i32
          %eq3A_608 = arith.constant 0 : i32
          %eq3A_609 = arith.cmpi eq, %jit3A_607, %eq3A_608 : i32
          %jit3A_610 = arith.constant 1 : i32
          %select_n3A_611 = arith.select %eq3A_609, %jit3A_610, %jit3A_607 : i32
          %rem3A_612 = arith.remsi %scan3A_98, %select_n3A_611 : i32
          %ne3A_613 = arith.constant 0 : i32
          %ne3A_614 = arith.cmpi ne, %rem3A_612, %ne3A_613 : i32
          %lt3A_615 = arith.constant 0 : i32
          %lt3A_616 = arith.cmpi slt, %rem3A_612, %lt3A_615 : i32
          %lt3A_617 = arith.constant 0 : i32
          %lt3A_618 = arith.cmpi slt, %select_n3A_611, %lt3A_617 : i32
          %ne3A_619 = arith.xori %lt3A_616, %lt3A_618 : i1
          %and3A_620 = arith.andi %ne3A_619, %ne3A_614 : i1
          %add3A_621 = arith.addi %rem3A_612, %select_n3A_611 : i32
          %select_n3A_622 = arith.select %and3A_620, %add3A_621, %rem3A_612 : i32
          %mul3A_623 = arith.constant 16 : i32
          %mul3A_624 = arith.muli %scan3A_598, %mul3A_623 : i32
          %swap3A_625 = arith.index_cast %select_n3A_622 : i32 to index
          %swap3A_626 = arith.index_cast %mul3A_624 : i32 to index
          %swap3A_627 = tpu.vector_load %arg7[%swap3A_625, %swap3A_626] {strides = array<i32>} : memref<2x4096xf32, #tpu.memory_space<vmem>>, vector<16xf32>,
          tpu.vector_store %arg7[%swap3A_625, %swap3A_626], %gather3A_606 {strides = array<i32>} : memref<2x4096xf32, #tpu.memory_space<vmem>>, vector<16xf32>,
        }
        %scan3A_107 = arith.constant 256 : i32
        %jit3A_108 = arith.constant 2 : i32
        %eq3A_109 = arith.constant 0 : i32
        %eq3A_110 = arith.cmpi eq, %jit3A_108, %eq3A_109 : i32
        %jit3A_111 = arith.constant 1 : i32
        %select_n3A_112 = arith.select %eq3A_110, %jit3A_111, %jit3A_108 : i32
        %rem3A_113 = arith.remsi %scan3A_98, %select_n3A_112 : i32
        %ne3A_114 = arith.constant 0 : i32
        %ne3A_115 = arith.cmpi ne, %rem3A_113, %ne3A_114 : i32
        %lt3A_116 = arith.constant 0 : i32
        %lt3A_117 = arith.cmpi slt, %rem3A_113, %lt3A_116 : i32
        %lt3A_118 = arith.constant 0 : i32
        %lt3A_119 = arith.cmpi slt, %select_n3A_112, %lt3A_118 : i32
        %ne3A_120 = arith.xori %lt3A_117, %lt3A_119 : i1
        %and3A_121 = arith.andi %ne3A_120, %ne3A_115 : i1
        %add3A_122 = arith.addi %rem3A_113, %select_n3A_112 : i32
        %select_n3A_123 = arith.select %and3A_121, %add3A_122, %rem3A_113 : i32
        %mul3A_124 = arith.constant 4096 : i32
        %mul3A_125 = arith.muli %scan3A_98, %mul3A_124 : i32
        %dma_start3A_126 = arith.constant 0 : i32
        %dma_start3A_127 = tpu.memref_slice %arg7[%select_n3A_123, %dma_start3A_126] : memref<2x4096xf32, #tpu.memory_space<vmem>> -> memref<1x4096xf32, #tpu.memory_space<vmem>>
        %dma_start3A_128 = tpu.memref_squeeze %dma_start3A_127 : memref<1x4096xf32, #tpu.memory_space<vmem>> -> memref<4096xf32, #tpu.memory_space<vmem>>
        %dma_start3A_129 = tpu.memref_slice %arg4[%add3A_68, %select_n3A_9, %mul3A_125] : memref<26x16x16384xf32, #tpu.memory_space<hbm>> -> memref<1x1x4096xf32, #tpu.memory_space<hbm>>
        %dma_start3A_130 = tpu.memref_squeeze %dma_start3A_129 : memref<1x1x4096xf32, #tpu.memory_space<hbm>> -> memref<4096xf32, #tpu.memory_space<hbm>>
        %dma_start3A_131 = tpu.memref_slice %arg4[%add3A_68, %select_n3A_9, %mul3A_125] : memref<26x16x16384xf32, #tpu.memory_space<hbm>> -> memref<1x1x4096xf32, #tpu.memory_space<hbm>>
        %dma_start3A_132 = tpu.memref_squeeze %dma_start3A_131 : memref<1x1x4096xf32, #tpu.memory_space<hbm>> -> memref<4096xf32, #tpu.memory_space<hbm>>
        %dma_start3A_133 = arith.constant 0 : i32
        %dma_start3A_134 = tpu.memref_slice %arg7[%select_n3A_123, %dma_start3A_133] : memref<2x4096xf32, #tpu.memory_space<vmem>> -> memref<1x4096xf32, #tpu.memory_space<vmem>>
        %dma_start3A_135 = tpu.memref_squeeze %dma_start3A_134 : memref<1x4096xf32, #tpu.memory_space<vmem>> -> memref<4096xf32, #tpu.memory_space<vmem>>
        tpu.enqueue_dma source(%dma_start3A_135 : memref<4096xf32, #tpu.memory_space<vmem>>) target(%dma_start3A_132 : memref<4096xf32, #tpu.memory_space<hbm>>) target_semaphore(%arg9 : memref<!tpu.dma_semaphore, #tpu.memory_space<semaphore_mem>>)
      }
      %scan3A_97 = arith.constant 4 : i32
    }
    %scan3A_37 = arith.constant 13 : i32
    %dma_wait3A = arith.constant 0 : i32
    %dma_wait3A_38 = arith.constant 0 : i32
    %dma_wait3A_39 = arith.constant 0 : i32
    %dma_wait3A_40 = arith.constant 0 : i32
    %dma_wait3A_41 = tpu.memref_slice %arg7[%dma_wait3A, %dma_wait3A_40] : memref<2x4096xf32, #tpu.memory_space<vmem>> -> memref<1x4096xf32, #tpu.memory_space<vmem>>
    %dma_wait3A_42 = tpu.memref_squeeze %dma_wait3A_41 : memref<1x4096xf32, #tpu.memory_space<vmem>> -> memref<4096xf32, #tpu.memory_space<vmem>>
    %dma_wait3A_43 = arith.constant 0 : i32
    %dma_wait3A_44 = tpu.memref_slice %arg4[%dma_wait3A_38, %dma_wait3A_39, %dma_wait3A_43] : memref<26x16x16384xf32, #tpu.memory_space<hbm>> -> memref<1x1x4096xf32, #tpu.memory_space<hbm>>
    %dma_wait3A_45 = tpu.memref_squeeze %dma_wait3A_44 : memref<1x1x4096xf32, #tpu.memory_space<hbm>> -> memref<4096xf32, #tpu.memory_space<hbm>>
    %dma_wait3A_46 = arith.constant 0 : i32
    %dma_wait3A_47 = tpu.memref_slice %arg4[%dma_wait3A_38, %dma_wait3A_39, %dma_wait3A_46] : memref<26x16x16384xf32, #tpu.memory_space<hbm>> -> memref<1x1x4096xf32, #tpu.memory_space<hbm>>
    %dma_wait3A_48 = tpu.memref_squeeze %dma_wait3A_47 : memref<1x1x4096xf32, #tpu.memory_space<hbm>> -> memref<4096xf32, #tpu.memory_space<hbm>>
    %dma_wait3A_49 = arith.constant 0 : i32
    %dma_wait3A_50 = tpu.memref_slice %arg7[%dma_wait3A, %dma_wait3A_49] : memref<2x4096xf32, #tpu.memory_space<vmem>> -> memref<1x4096xf32, #tpu.memory_space<vmem>>
    %dma_wait3A_51 = tpu.memref_squeeze %dma_wait3A_50 : memref<1x4096xf32, #tpu.memory_space<vmem>> -> memref<4096xf32, #tpu.memory_space<vmem>>
    tpu.wait_dma2 semaphore(%arg9 : memref<!tpu.dma_semaphore, #tpu.memory_space<semaphore_mem>>) src(%dma_wait3A_51 : memref<4096xf32, #tpu.memory_space<vmem>>) dst(%dma_wait3A_48 : memref<4096xf32, #tpu.memory_space<hbm>>)
    %dma_wait3A_52 = arith.constant 1 : i32
    %dma_wait3A_53 = arith.constant 0 : i32
    %dma_wait3A_54 = arith.constant 0 : i32
    %dma_wait3A_55 = arith.constant 0 : i32
    %dma_wait3A_56 = tpu.memref_slice %arg7[%dma_wait3A_52, %dma_wait3A_55] : memref<2x4096xf32, #tpu.memory_space<vmem>> -> memref<1x4096xf32, #tpu.memory_space<vmem>>
    %dma_wait3A_57 = tpu.memref_squeeze %dma_wait3A_56 : memref<1x4096xf32, #tpu.memory_space<vmem>> -> memref<4096xf32, #tpu.memory_space<vmem>>
    %dma_wait3A_58 = arith.constant 0 : i32
    %dma_wait3A_59 = tpu.memref_slice %arg4[%dma_wait3A_53, %dma_wait3A_54, %dma_wait3A_58] : memref<26x16x16384xf32, #tpu.memory_space<hbm>> -> memref<1x1x4096xf32, #tpu.memory_space<hbm>>
    %dma_wait3A_60 = tpu.memref_squeeze %dma_wait3A_59 : memref<1x1x4096xf32, #tpu.memory_space<hbm>> -> memref<4096xf32, #tpu.memory_space<hbm>>
    %dma_wait3A_61 = arith.constant 0 : i32
    %dma_wait3A_62 = tpu.memref_slice %arg4[%dma_wait3A_53, %dma_wait3A_54, %dma_wait3A_61] : memref<26x16x16384xf32, #tpu.memory_space<hbm>> -> memref<1x1x4096xf32, #tpu.memory_space<hbm>>
    %dma_wait3A_63 = tpu.memref_squeeze %dma_wait3A_62 : memref<1x1x4096xf32, #tpu.memory_space<hbm>> -> memref<4096xf32, #tpu.memory_space<hbm>>
    %dma_wait3A_64 = arith.constant 0 : i32
    %dma_wait3A_65 = tpu.memref_slice %arg7[%dma_wait3A_52, %dma_wait3A_64] : memref<2x4096xf32, #tpu.memory_space<vmem>> -> memref<1x4096xf32, #tpu.memory_space<vmem>>
    %dma_wait3A_66 = tpu.memref_squeeze %dma_wait3A_65 : memref<1x4096xf32, #tpu.memory_space<vmem>> -> memref<4096xf32, #tpu.memory_space<vmem>>
    tpu.wait_dma2 semaphore(%arg9 : memref<!tpu.dma_semaphore, #tpu.memory_space<semaphore_mem>>) src(%dma_wait3A_66 : memref<4096xf32, #tpu.memory_space<vmem>>) dst(%dma_wait3A_63 : memref<4096xf32, #tpu.memory_space<hbm>>)
    return
  }
}

module attributes {stable_mosaic.version = 14 : i64} {
  func.func @_mlp_body(%arg0: i32, %arg1: memref<26x16x2048xf32, #tpu.memory_space<vmem>>, %arg2: memref<26x16x2048xf32, #tpu.memory_space<vmem>>, %arg3: memref<26x16x2048xf32, #tpu.memory_space<vmem>>, %arg4: memref<10x2048xf32, #tpu.memory_space<vmem>>, %arg5: memref<10x128xf32, #tpu.memory_space<vmem>>, %arg6: memref<416x128xf32, #tpu.memory_space<vmem>>, %arg7: memref<128x1xf32, #tpu.memory_space<vmem>>, %arg8: memref<128x1xf32, #tpu.memory_space<vmem>>, %arg9: memref<1x1xf32, #tpu.memory_space<vmem>>, %arg10: memref<1x2048xf32, #tpu.memory_space<vmem>>) attributes {dimension_semantics = [#tpu.dimension_semantics<arbitrary>], iteration_bounds = array<i64: 8>, scalar_prefetch = 0 : i64, scratch_operands = 0 : i64, tpu.core_type = #tpu.core_type<tc>, window_params = [{transform_indices = @transform_0, window_bounds = array<i64: 26, 16, 2048>}, {transform_indices = @transform_1, window_bounds = array<i64: 26, 16, 2048>}, {transform_indices = @transform_2, window_bounds = array<i64: 26, 16, 2048>}, {transform_indices = @transform_3, window_bounds = array<i64: 10, 2048>}, {pipeline_mode = #tpu.pipeline_mode<synchronous>, transform_indices = @transform_4, window_bounds = array<i64: 10, 128>}, {pipeline_mode = #tpu.pipeline_mode<synchronous>, transform_indices = @transform_5, window_bounds = array<i64: 416, 128>}, {pipeline_mode = #tpu.pipeline_mode<synchronous>, transform_indices = @transform_6, window_bounds = array<i64: 128, 1>}, {pipeline_mode = #tpu.pipeline_mode<synchronous>, transform_indices = @transform_7, window_bounds = array<i64: 128, 1>}, {pipeline_mode = #tpu.pipeline_mode<synchronous>, transform_indices = @transform_8, window_bounds = array<i64: 1, 1>}, {transform_indices = @transform_9, window_bounds = array<i64: 1, 2048>}]} {
    %get3A = arith.constant 0 : index
    %get3A_0 = arith.constant 0 : index
    %get3A_1 = arith.constant 0 : index
    %get3A_2 = vector.load %arg1[%get3A, %get3A_0, %get3A_1] : memref<26x16x2048xf32, #tpu.memory_space<vmem>>, vector<26x16x2048xf32>
    %reshape3A = vector.shape_cast %get3A_2 : vector<26x16x2048xf32> to vector<416x2048xf32>
    %get3A_3 = arith.constant 0 : index
    %get3A_4 = arith.constant 0 : index
    %get3A_5 = arith.constant 0 : index
    %get3A_6 = vector.load %arg2[%get3A_3, %get3A_4, %get3A_5] : memref<26x16x2048xf32, #tpu.memory_space<vmem>>, vector<26x16x2048xf32>
    %reshape3A_7 = vector.shape_cast %get3A_6 : vector<26x16x2048xf32> to vector<416x2048xf32>
    %get3A_8 = arith.constant 0 : index
    %get3A_9 = arith.constant 0 : index
    %get3A_10 = arith.constant 0 : index
    %get3A_11 = vector.load %arg3[%get3A_8, %get3A_9, %get3A_10] : memref<26x16x2048xf32, #tpu.memory_space<vmem>>, vector<26x16x2048xf32>
    %reshape3A_12 = vector.shape_cast %get3A_11 : vector<26x16x2048xf32> to vector<416x2048xf32>
    %mul3A = arith.constant 5.000000e-01 : f32
    %mul3A_13 = vector.broadcast %mul3A : f32 to vector<416x2048xf32>
    %mul3A_14 = arith.mulf %reshape3A_7, %mul3A_13 : vector<416x2048xf32>
    %exp3A = math.exp %mul3A_14 : vector<416x2048xf32>
    %mul3A_15 = arith.mulf %exp3A, %reshape3A_12 : vector<416x2048xf32>
    %add3A = arith.addf %reshape3A, %mul3A_15 : vector<416x2048xf32>
    %get3A_16 = arith.constant 0 : index
    %get3A_17 = arith.constant 0 : index
    %get3A_18 = vector.load %arg6[%get3A_16, %get3A_17] : memref<416x128xf32, #tpu.memory_space<vmem>>, vector<416x128xf32>
    %dot_general3A = arith.constant dense<0.000000e+00> : vector<128x2048xf32>
    %dot_general3A_19 = tpu.matmul %get3A_18, %add3A, %dot_general3A {dimension_numbers = #tpu.dot_dimension_numbers<[0], [0], [1], [1], [0, 1, 1, 1], [], []>, transpose_lhs_hint = false} : vector<416x128xf32>, vector<416x2048xf32>, vector<128x2048xf32> -> vector<128x2048xf32>
    %get3A_20 = arith.constant 0 : index
    %get3A_21 = arith.constant 0 : index
    %get3A_22 = vector.load %arg5[%get3A_20, %get3A_21] : memref<10x128xf32, #tpu.memory_space<vmem>>, vector<10x128xf32>
    %get3A_23 = arith.constant 0 : index
    %get3A_24 = arith.constant 0 : index
    %get3A_25 = vector.load %arg4[%get3A_23, %get3A_24] : memref<10x2048xf32, #tpu.memory_space<vmem>>, vector<10x2048xf32>
    %dot_general3A_26 = arith.constant dense<0.000000e+00> : vector<128x2048xf32>
    %dot_general3A_27 = tpu.matmul %get3A_22, %get3A_25, %dot_general3A_26 {dimension_numbers = #tpu.dot_dimension_numbers<[0], [0], [1], [1], [0, 1, 1, 1], [], []>, transpose_lhs_hint = false} : vector<10x128xf32>, vector<10x2048xf32>, vector<128x2048xf32> -> vector<128x2048xf32>
    %add3A_28 = arith.addf %dot_general3A_19, %dot_general3A_27 : vector<128x2048xf32>
    %get3A_29 = arith.constant 0 : index
    %get3A_30 = arith.constant 0 : index
    %get3A_31 = vector.load %arg7[%get3A_29, %get3A_30] : memref<128x1xf32, #tpu.memory_space<vmem>>, vector<128x1xf32>
    %add3A_32 = vector.broadcast %get3A_31 : vector<128x1xf32> to vector<128x2048xf32>
    %add3A_33 = arith.addf %add3A_28, %add3A_32 : vector<128x2048xf32>
    %max3A = arith.constant 0.000000e+00 : f32
    %max3A_34 = vector.broadcast %max3A : f32 to vector<128x2048xf32>
    %max3A_35 = arith.maximumf %add3A_33, %max3A_34 : vector<128x2048xf32>
    %get3A_36 = arith.constant 0 : index
    %get3A_37 = arith.constant 0 : index
    %get3A_38 = vector.load %arg8[%get3A_36, %get3A_37] : memref<128x1xf32, #tpu.memory_space<vmem>>, vector<128x1xf32>
    %mul3A_39 = vector.broadcast %get3A_38 : vector<128x1xf32> to vector<128x2048xf32>
    %mul3A_40 = arith.mulf %max3A_35, %mul3A_39 : vector<128x2048xf32>
    %reduce_sum3A = arith.constant dense<0.000000e+00> : vector<2048xf32>
    %reduce_sum3A_41 = vector.multi_reduction <add>, %mul3A_40, %reduce_sum3A [0] : vector<128x2048xf32> to vector<2048xf32>
    %broadcast_in_dim3A = vector.shape_cast %reduce_sum3A_41 : vector<2048xf32> to vector<1x2048xf32>
    %get3A_42 = arith.constant 0 : index
    %get3A_43 = arith.constant 0 : index
    %get3A_44 = vector.load %arg9[%get3A_42, %get3A_43] : memref<1x1xf32, #tpu.memory_space<vmem>>, vector<1x1xf32>
    %add3A_45 = vector.broadcast %get3A_44 : vector<1x1xf32> to vector<1x2048xf32>
    %add3A_46 = arith.addf %broadcast_in_dim3A, %add3A_45 : vector<1x2048xf32>
    %swap3A = arith.constant 0 : index
    %swap3A_47 = arith.constant 0 : index
    %swap3A_48 = vector.load %arg10[%swap3A, %swap3A_47] : memref<1x2048xf32, #tpu.memory_space<vmem>>, vector<1x2048xf32>
    tpu.vector_store %arg10[%swap3A, %swap3A_47], %add3A_46 {strides = array<i32>} : memref<1x2048xf32, #tpu.memory_space<vmem>>, vector<1x2048xf32>,
    return
  }
  func.func @transform_0(%arg0: i32) -> (i32, i32, i32) {
    %c0_i32 = arith.constant 0 : i32
    %c0_i32_0 = arith.constant 0 : i32
    %c0_i32_1 = arith.constant 0 : i32
    return %c0_i32, %c0_i32_0, %arg0 : i32, i32, i32
  }
  func.func @transform_1(%arg0: i32) -> (i32, i32, i32) {
    %c0_i32 = arith.constant 0 : i32
    %c0_i32_0 = arith.constant 0 : i32
    %c0_i32_1 = arith.constant 0 : i32
    return %c0_i32, %c0_i32_0, %arg0 : i32, i32, i32
  }
  func.func @transform_2(%arg0: i32) -> (i32, i32, i32) {
    %c0_i32 = arith.constant 0 : i32
    %c0_i32_0 = arith.constant 0 : i32
    %c0_i32_1 = arith.constant 0 : i32
    return %c0_i32, %c0_i32_0, %arg0 : i32, i32, i32
  }
  func.func @transform_3(%arg0: i32) -> (i32, i32) {
    %c0_i32 = arith.constant 0 : i32
    %c0_i32_0 = arith.constant 0 : i32
    return %c0_i32, %arg0 : i32, i32
  }
  func.func @transform_4(%arg0: i32) -> (i32, i32) {
    %c0_i32 = arith.constant 0 : i32
    %c0_i32_0 = arith.constant 0 : i32
    %c0_i32_1 = arith.constant 0 : i32
    return %c0_i32, %c0_i32_0 : i32, i32
  }
  func.func @transform_5(%arg0: i32) -> (i32, i32) {
    %c0_i32 = arith.constant 0 : i32
    %c0_i32_0 = arith.constant 0 : i32
    %c0_i32_1 = arith.constant 0 : i32
    return %c0_i32, %c0_i32_0 : i32, i32
  }
  func.func @transform_6(%arg0: i32) -> (i32, i32) {
    %c0_i32 = arith.constant 0 : i32
    %c0_i32_0 = arith.constant 0 : i32
    %c0_i32_1 = arith.constant 0 : i32
    return %c0_i32, %c0_i32_0 : i32, i32
  }
  func.func @transform_7(%arg0: i32) -> (i32, i32) {
    %c0_i32 = arith.constant 0 : i32
    %c0_i32_0 = arith.constant 0 : i32
    %c0_i32_1 = arith.constant 0 : i32
    return %c0_i32, %c0_i32_0 : i32, i32
  }
  func.func @transform_8(%arg0: i32) -> (i32, i32) {
    %c0_i32 = arith.constant 0 : i32
    %c0_i32_0 = arith.constant 0 : i32
    %c0_i32_1 = arith.constant 0 : i32
    return %c0_i32, %c0_i32_0 : i32, i32
  }
  func.func @transform_9(%arg0: i32) -> (i32, i32) {
    %c0_i32 = arith.constant 0 : i32
    %c0_i32_0 = arith.constant 0 : i32
    return %c0_i32, %arg0 : i32, i32
  }
}

</mosaic_0001>

<sc_bundles>
// kernel: kernel.5.cloned.1.call-start
scs
__scs_entry_jumppad:
0x0: {  	(pc) =	sbr.rel $0x88, $3  }
0x1: {  	(tag) =	ssettag $0x0;
	lr =	simm.s32 $0x1  }
0x2: {  	[smem:$0x3F98] =	sst lr;
	_ =	strace $0xD0000000  }
0x3: {  	_ = 	snop  }
0x4: {  	_ = 	snop  }
0x5: {  	_ = 	snop  }
0x6: {  	_ = 	snop  }
0x7: {  	_ = 	snop  }
__scs_overlays_trampoline_lowered:
0x8: {  	[smem:$0x3FA7] =	sst s0  }
0x9: {  	[smem:$0x3FA8] =	sst s1  }
0xa: {  	[smem:$0x3FA9] =	sst s2  }
0xb: {  	[smem:$0x3FAA] =	sst s3  }
0xc: {  	[smem:$0x3FAB] =	sst s4  }
0xd: {  	[smem:$0x3FAC] =	sst s5  }
0xe: {  	[smem:$0x3FAD] =	sst s6  }
0xf: {  	[smem:$0x3FAE] =	sst s7  }
0x10: {  	[smem:$0x3FAF] =	sst s8  }
0x11: {  	[smem:$0x3FB0] =	sst s9;
	s0 =	simm.s32 @!p0 $0x0  }
0x12: {  	s1 =	sld [smem:$0x3F96];
	s0 =	simm.s32 @p0 $0x1  }
0x13: {  	[smem:$0x3FB1] =	sst s0;
	s0 =	simm.s32 @!p1 $0x0  }
0x14: {  	s2 =	sld [smem:$0x3F95];
	s0 =	simm.s32 @p1 $0x1  }
0x15: {  	[smem:$0x3FB2] =	sst s0;
	s0 =	simm.s32 @!p2 $0x0  }
0x16: {  	s3 =	sld [smem:$0x3FDB];
	s0 =	simm.s32 @p2 $0x1  }
0x17: {  	s4 =	simm.s32 $0x1BF5;
	[smem:$0x3FB4] =	sst s0  }
0x18: {  	s0 =	sld [smem:$0x3F97];
	_ =	swait.ge [sflag:s4], $0x0  }
0x19: {  	s7 =	sld [smem:$0x3F98]  }
0x1a: {  	s8 =	sadd.s32 $0xFFFFE003, lr  }
0x1b: {  	s9 =	sadd.s32 $0xFFFFFEF7, lr;
	s5 =	simm.s32 $0xFFFFFFFF;
	p2 =	slt.u32 s8, $0xFFFFF086  }
0x1c: {  	p1 =	slt.u32 s9, $0xF7A;
	s5 =	simm.s32 @!p2 $0x0  }
0x1d: {  	s5 =	simm.s32 @p1 $0x1;
	p0 =	seq.s32 s7, s2  }
0x1e: {  	s7 =	smul.u32 @!p0 $0xF7A, s2;
	p2 =	seq.s32 @!p0 s5, $0x0  }
0x1f: {  	s9 =	smul.u32 $0xF7A, s1;
	s8 =	simm.s32 @!p0 $0x1BF5;
	p2 =	por !p2, p0  }
0x20: {  	[sflag:s8] =	ssyncset.s32 @!p0 $0xFFFFF086;
	s6 =	sadd.s32 @!p0 s3, s7;
	s7 =	simm.s32 @!p0 $0x108  }
0x21: {  	s3 =	sadd.s32 s3, s9;
	s6 =	sadd.s32 @!p0 $0x88, s6;
	s7 =	simm.s32 @p2 $0x1082  }
0x22: {  	[simem:s7], [sflag:s8] =	dma.local @!p0 [hbm:s6], $0xF7A  }
0x23: {  	s9 =	sor.u32 $0xD0000000, s2;
	s6 =	simm.s32 $0x108;
	_ =	swait.ge @!p0 [sflag:s8], $0x0  }
0x24: {  	s3 =	sadd.s32 $0x88, s3;
	s6 =	simm.s32 @!p1 $0x1082;
	[sflag:s4] =	ssyncset.s32 $0xFFFFF086  }
0x25: {  	[simem:s6], [sflag:s4] =	dma.local [hbm:s3], $0xF7A  }
0x26: {  	[smem:$0x3F98] =	sst s1;
	(tag) =	ssettag s2;
	_ =	strace s9  }
0x27: {  	s1 =	sld [smem:$0x3FA8]  }
0x28: {  	s2 =	sld [smem:$0x3FA9]  }
0x29: {  	s4 =	sld [smem:$0x3FAB]  }
0x2a: {  	p0 =	seq.s32 s5, $0x0;
	s5 =	sld [smem:$0x3FAC]  }
0x2b: {  	s6 =	sld [smem:$0x3FAD]  }
0x2c: {  	s7 =	sld [smem:$0x3FAE]  }
0x2d: {  	s3 =	simm.s32 $0x108;
	s8 =	sld [smem:$0x3FAF]  }
0x2e: {  	s3 =	simm.s32 @!p0 $0x1082;
	s9 =	sld [smem:$0x3FB0]  }
0x2f: {  	lr =	sadd.s32 s0, s3;
	s0 =	sld [smem:$0x3FA7]  }
0x30: {  	s3 =	sld [smem:$0x3FAA]  }
0x31: {  	[smem:$0x3FB3] =	sst s10  }
0x32: {  	s10 =	sld [smem:$0x3FB1];
	_ =	sdelay $0x3  }
0x33: {  	p0 =	seq.s32 s10, $0x1;
	s10 =	sld [smem:$0x3FB3];
	_ =	sdelay $0x3  }
0x34: {  	[smem:$0x3FB3] =	sst s10  }
0x35: {  	s10 =	sld [smem:$0x3FB2];
	_ =	sdelay $0x3  }
0x36: {  	p1 =	seq.s32 s10, $0x1;
	s10 =	sld [smem:$0x3FB3];
	_ =	sdelay $0x3  }
0x37: {  	[smem:$0x3FB3] =	sst s10  }
0x38: {  	s10 =	sld [smem:$0x3FB4]  }
0x39: {  	_ = 	snop;
	(pc) =	sbr.ind lr, $3  }
0x3a: {  	_ = 	snop  }
0x3b: {  	_ = 	snop  }
0x3c: {  	p2 =	seq.s32 s10, $0x1;
	s10 =	sld [smem:$0x3FB3]  }
0x3d: {  	_ =	shalt  }
0x3e: {  	_ =	shalt  }
0x3f: {  	_ =	shalt  }
0x40: {  	_ =	shalt  }
0x41: {  	_ =	shalt  }
0x42: {  	_ =	shalt  }
0x43: {  	_ =	shalt  }
0x44: {  	_ =	shalt  }
0x45: {  	_ =	shalt  }
0x46: {  	_ =	shalt  }
0x47: {  	_ =	shalt  }
0x48: {  	_ =	shalt  }
0x49: {  	_ =	shalt  }
0x4a: {  	_ =	shalt  }
0x4b: {  	_ =	shalt  }
0x4c: {  	_ =	shalt  }
0x4d: {  	_ =	shalt  }
0x4e: {  	_ =	shalt  }
0x4f: {  	_ =	shalt  }
0x50: {  	_ =	shalt  }
0x51: {  	_ =	shalt  }
0x52: {  	_ =	shalt  }
0x53: {  	_ =	shalt  }
0x54: {  	_ =	shalt  }
0x55: {  	_ =	shalt  }
0x56: {  	_ =	shalt  }
0x57: {  	_ =	shalt  }
0x58: {  	_ =	shalt  }
0x59: {  	_ =	shalt  }
0x5a: {  	_ =	shalt  }
0x5b: {  	_ =	shalt  }
0x5c: {  	_ =	shalt  }
0x5d: {  	_ =	shalt  }
0x5e: {  	_ =	shalt  }
0x5f: {  	_ =	shalt  }
0x60: {  	_ =	shalt  }
0x61: {  	_ =	shalt  }
0x62: {  	_ =	shalt  }
0x63: {  	_ =	shalt  }
0x64: {  	_ =	shalt  }
0x65: {  	_ =	shalt  }
0x66: {  	_ =	shalt  }
0x67: {  	_ =	shalt  }
0x68: {  	_ =	shalt  }
0x69: {  	_ =	shalt  }
0x6a: {  	_ =	shalt  }
0x6b: {  	_ =	shalt  }
0x6c: {  	_ =	shalt  }
0x6d: {  	_ =	shalt  }
0x6e: {  	_ =	shalt  }
0x6f: {  	_ =	shalt  }
0x70: {  	_ =	shalt  }
0x71: {  	_ =	shalt  }
0x72: {  	_ =	shalt  }
0x73: {  	_ =	shalt  }
0x74: {  	_ =	shalt  }
0x75: {  	_ =	shalt  }
0x76: {  	_ =	shalt  }
0x77: {  	_ =	shalt  }
0x78: {  	_ =	shalt  }
0x79: {  	_ =	shalt  }
0x7a: {  	_ =	shalt  }
0x7b: {  	_ =	shalt  }
0x7c: {  	_ =	shalt  }
0x7d: {  	_ =	shalt  }
0x7e: {  	_ =	shalt  }
0x7f: {  	_ =	shalt  }
0x80: {  	_ =	shalt  }
0x81: {  	_ =	shalt  }
0x82: {  	_ =	shalt  }
0x83: {  	_ =	shalt  }
0x84: {  	_ =	shalt  }
0x85: {  	_ =	shalt  }
0x86: {  	_ =	shalt  }
0x87: {  	_ =	shalt  }
.Lfunc_end0:
.L_simem_size_0:
called_computation_lowered:
.L_overlay_start_0:
0x88: {  	s2 =	sld [smem:$0x3FD9]  }
0x89: {  	s3 =	sld [smem:$0x3FFE];
	_ =	sdelay $0x1  }
0x8a: {  	s1 =	srdreg.scid  }
0x8b: {  	s0 =	sand.u32 $0x1, s1  }
0x8c: {  	s17 =	sshll.u32 s0, $0xA;
	s2 =	sadd.s32 s3, s2  }
0x8d: {  	s2 =	sadd.s32 s2, s17  }
0x8e: {  	[smem:$0x3FBF] =	sst s2  }
0x8f: {  	_ = 	snop  }
0x90: {  	s2 =	sld [smem:$0x3FC8]  }
0x91: {  	s18 =	sld [smem:$0x3FC6];
	(tm) =	ssettm $0x1  }
0x92: {  	s4 =	sld [smem:$0x3FFB];
	_ =	sdelay $0x3  }
0x93: {  	_ =	strace s4  }
0x94: {  	s4 =	sld [smem:$0x3FFC];
	_ =	sdelay $0x3  }
0x95: {  	_ =	strace s4  }
0x96: {  	s4 =	sld [smem:$0x3FFD];
	_ =	sdelay $0x3  }
0x97: {  	_ =	strace s4  }
0x98: {  	_ =	strace $0x8FFFFFFF  }
0x99: {  	s19 =	sld [smem:$0x3FDB];
	_ =	sdelay $0x1  }
0x9a: {  	s5 =	simm.s32 $_scs_section_size  }
0x9b: {  	s6 =	simm.s32 $_size__tile_overlayer_lowered;
	s7 =	simm.s32 $_tile_overlayer_lowered  }
0x9c: {  	s22 =	simm.s32 $0x1BFF;
	s21 =	sshll.u32 s7, $0x1;
	s4 =	sadd.s32 s5, s19  }
0x9d: {  	s8 =	simm.s32 $0x0;
	s20 =	sshll.u32 s6, $0x1;
	s6 =	sadd.s32 s21, s4  }
0x9e: {  	[timem:s8], [sflag:s22] =	dma.local [hbm:s6], s20  }
0x9f: {  	_ =	swait.ge [sflag:s22], s20  }
0xa0: {  	s5 =	ssub.s32 $0x0, s20;
	[sflag:s22] =	ssyncset.done $0x0  }
0xa1: {  	[sflag:s22] =	ssyncadd.s32 s5;
	_ =	sdelay $0x1  }
0xa2: {  	s23 =	simm.s32 $0x1B8B  }
0xa3: {  	_ =	swait.ge [sflag:s23], $0x1  }
0xa4: {  	[sflag:s23] =	ssyncset.done $0x0  }
0xa5: {  	s25 =	simm.s32 $0x1B8E;
	s24 =	sld [smem:$0x3FFE];
	[sflag:s23] =	ssyncadd.s32 $0xFFFFFFFF  }
0xa6: {  	s26 =	simm.s32 $execute0_lowered;
	[smem:$0x3FD2] =	sst s25  }
0xa7: {  	s6 =	sshll.u32 s26, $0x1;
	_ =	strace $0x80000046;
	[dreg:$0x1] =	wrdreg $0xFFFFFFFF  }
0xa8: {  	s28 =	simm.s32 $_size_execute0_lowered;
	s4 =	sadd.s32 s4, s6;
	[dreg:$0x0] =	wrdreg $0x0  }
0xa9: {  	s6 =	sshll.u32 s28, $0x1;
	[dreg:$0x2] =	wrdreg s4  }
0xaa: {  	[dreg:$0x3] =	wrdreg s6  }
0xab: {  	[dreg:$0x4] =	wrdreg $0xC0  }
0xac: {  	_ =	task [dreg:s8], $0x5FFFF  }
0xad: {  	[dreg:$0x1] =	wrdreg $0xFFFFFFFF  }
0xae: {  	[dreg:$0x0] =	wrdreg $0x60  }
0xaf: {  	[dreg:$0x2] =	wrdreg s2  }
0xb0: {  	[dreg:$0x3] =	wrdreg s18  }
0xb1: {  	[dreg:$0x4] =	wrdreg s24  }
0xb2: {  	[dreg:$0x5] =	wrdreg $0x9  }
0xb3: {  	_ =	task.clear_ibuf [dreg:s8], $0x6FFFF;
	_ =	strace $0x90000046  }
0xb4: {  	s29 =	simm.s32 $0x9;
	_ =	strace $0x80000048  }
0xb5: {  	_ =	swait.ge [sflag:s29], $0x1  }
0xb6: {  	[sflag:s29] =	ssyncadd.s32 $0xFFFFFFFF  }
0xb7: {  	_ =	strace $0x90000048  }
0xb8: {  	_ =	sfence  }
0xb9: {  	s30 =	sld [smem:$0x0];
	_ =	sdelay $0x2  }
0xba: {  	s31 =	sshll.u32 s1, $0xD;
	s1 =	sshrl.u32 s1, $0x2  }
0xbb: {  	s3 =	sand.u32 $0x4000, s31;
	s1 =	sadd.s32 s1, s30  }
0xbc: {  	s0 =	sor.u32 s3, s0;
	s1 =	sshll.u32 s1, $0x11  }
0xbd: {  	s0 =	sor.u32 s1, s0  }
0xbe: {  	s0 =	sadd.s32 $0x8F2B, s0  }
0xbf: {  	[sflag:s0] =	ssyncadd.remote.s32 $0x1  }
0xc0: {  	_ =	sfence.sel $0xFFFF  }
0xc1: {  	[dreg:$0x0] =	wrdreg $0xFFFFFFFF;
	(pc) =	sbr.abs _section_cstart, $3  }
0xc2: {  	[dreg:$0x1] =	wrdreg $0xFFFFFFFF  }
0xc3: {  	_ =	task.clear_ibuf [dreg:s8], $0x2FFFF;
	_ =	strace $0x9FFFFFFF  }
0xc4: {  	(tm) =	ssettm $0x7FFFFFFF  }
0xc5: {  	_ =	shalt  }
tec
execute0_lowered:
.L_overlay_start_1:
0x0: {  	(tag) =	ssettag $0x1  }
0x1: {  	s1 =	rddreg [dreg:$0x0]  }
0x2: {  	s2 =	rddreg [dreg:$0x1]  }
0x3: {  	s5 =	rddreg [dreg:$0x2]  }
0x4: {  	s0 =	rddreg [dreg:$0x3];
	s3 =	simm.s32 $0x0  }
0x5: {  	s4 =	srdreg.scid;
	s15 =	simm.s32 $0x2;
	s16 =	simm.s32 $0x0  }
0x6: {  	[smem:$0x7FF] =	sst s3;
	s6 =	sand.u32 $0x1, s4;
	s4 =	stileid.u32  }
0x7: {  	s5 =	sadd.s32 $0x1000, s5;
	_ =	strace $0x80000047;
	s7 =	ssub.s32 $0x2, s6  }
0x8: {  	s9 =	sshrl.u32 s4, $0x2;
	s10 =	sshrl.u32 s4, $0x3;
	s11 =	sshll.u32 s4, $0x8  }
0x9: {  	s12 =	sshll.u32 s6, $0x7;
	s9 =	sand.u32 $0x1, s9;
	s6 =	smul.u32 $0xD, s10  }
0xa: {  	s8 =	sshrl.u32 s7, $0x1;
	s11 =	sand.u32 $0x300, s11;
	s13 =	smul.u32 $0xC3800, s9  }
0xb: {  	s14 =	ssub.s32 s7, s8;
	s7 =	sor.u32 s12, s11;
	s9 =	sshll.u32 s9, $0x11  }
0xc: {  	s11 =	simm.s32 $0x80;
	s12 =	simm.s32 $0x400;
	s10 =	smax.u32 s14, $0x1  }
0xd: {  	s14 =	simm.s32 $0x1;
	s8 =	sor.u32 s7, s13;
	s13 =	simm.s32 $0x18700  }
.LBB2_1:
0xe: {  	s17 =	simm.s32 $0x0  }
.LBB2_2:
0xf: {  	s19 =	sadd.s32 s6, s17  }
0x10: {  	s18 =	smul.u32 $0x187000, s19;
	_ =	sdelay $0x1  }
0x11: {  	s18 =	sadd.s32 s8, s18  }
0x12: {  	s18 =	sshrl.u32 s18, $0x3  }
0x13: {  	s31 =	sshll.u32 s19, $0x4;
	s20 =	sadd.s32 s2, s18;
	s18 =	simm.s32 $0x0  }
0x14: {  	[tilespmem:s18], [sflag:$0x1] =	stream.strided.gather [hbm4b:s20+s11], $0x18700, s12, s11, $0x38;
	[tilespmem:$0x1E700] =	vst v63  }
0x15: {  	s21 =	sshll.u32 s19, $0xB;
	s20 =	sand.u32 $0x70, s31  }
0x16: {  	s21 =	sand.u32 $0xC000, s21;
	s20 =	sadd.s32 s1, s20  }
0x17: {  	s20 =	sadd.s32 s21, s20  }
0x18: {  	[tilespmem:s13], [sflag:$0x1] =	stream.strided.gather [hbm4b:s20+s11], $0x4000, s12, s11, $0x38;
	[tilespmem:$0x1E700] =	vst v63  }
0x19: {  	_ =	swait.ge [sflag:s14], $0x18700  }
0x1a: {  	[sflag:s14] =	ssyncset.done $0x0  }
0x1b: {  	[sflag:s14] =	ssyncadd.s32 $0xFFFE7900  }
0x1c: {  	p0 =	por $0x0, $0x0;
	s19 =	sshll.u32 s19, $0x12;
	_ =	swait.ge [sflag:s14], $0x4000  }
0x1d: {  	p1 =	sne.s32 s17, $0x0;
	s19 =	sor.u32 s19, s9;
	[sflag:s14] =	ssyncset.done $0x0  }
0x1e: {  	s19 =	sor.u32 s7, s19;
	s20 =	simm.s32 $0x18780;
	[sflag:s14] =	ssyncadd.s32 $0xFFFFC000  }
.LBB2_3:
0x1f: {  	p2 =	slt.u32 @!p1 s18, $0x2  }
0x20: {  	s21 =	simm.s32 $0x1;
	p2 =	por p1, !p2  }
0x21: {  	s23 =	simm.s32 $0xFFFFFFF0;
	s21 =	simm.s32 @!p0 $0x0;
	_ =	swait.ge @p2 [sflag:s15], $0x1000  }
0x22: {  	s24 =	smov.u32 s20;
	s22 =	sshll.u32 s21, $0x7;
	[sflag:s15] =	ssyncset.done @p2 $0x0  }
0x23: {  	s21 =	sor.u32 $0x1C700, s22;
	s22 =	sor.u32 $0x1C800, s22;
	[sflag:s15] =	ssyncadd.s32 @p2 $0xFFFFF000  }
.LBB2_4:
0x24: {  	v0 =	vld [tilespmem:s24+$0xFFFFFF80];
	_ =	sdelay $0x7  }
0x25: {  	v0 =	vld.idx.msk [tilespmem:v0+s3+$0x0], $0xffff;
	_ =	sdelay $0x4  }
0x26: {  	[tilespmem:s22+$0xFFFFFF00] =	vst v0  }
0x27: {  	v0 =	vld [tilespmem:s24+$0xFFFFFF90];
	_ =	sdelay $0x7  }
0x28: {  	v0 =	vld.idx.msk [tilespmem:v0+s3+$0x0], $0xffff;
	_ =	sdelay $0x4  }
0x29: {  	[tilespmem:s22+$0xFFFFFF10] =	vst v0  }
0x2a: {  	v0 =	vld [tilespmem:s24+$0xFFFFFFA0];
	_ =	sdelay $0x7  }
0x2b: {  	v0 =	vld.idx.msk [tilespmem:v0+s3+$0x0], $0xffff;
	_ =	sdelay $0x4  }
0x2c: {  	[tilespmem:s22+$0xFFFFFF20] =	vst v0  }
0x2d: {  	v0 =	vld [tilespmem:s24+$0xFFFFFFB0];
	_ =	sdelay $0x7  }
0x2e: {  	v0 =	vld.idx.msk [tilespmem:v0+s3+$0x0], $0xffff;
	_ =	sdelay $0x4  }
0x2f: {  	[tilespmem:s22+$0xFFFFFF30] =	vst v0  }
0x30: {  	v0 =	vld [tilespmem:s24+$0xFFFFFFC0];
	_ =	sdelay $0x7  }
0x31: {  	v0 =	vld.idx.msk [tilespmem:v0+s3+$0x0], $0xffff;
	_ =	sdelay $0x4  }
0x32: {  	[tilespmem:s22+$0xFFFFFF40] =	vst v0  }
0x33: {  	v0 =	vld [tilespmem:s24+$0xFFFFFFD0];
	_ =	sdelay $0x7  }
0x34: {  	v0 =	vld.idx.msk [tilespmem:v0+s3+$0x0], $0xffff;
	_ =	sdelay $0x4  }
0x35: {  	[tilespmem:s22+$0xFFFFFF50] =	vst v0  }
0x36: {  	v0 =	vld [tilespmem:s24+$0xFFFFFFE0];
	_ =	sdelay $0x7  }
0x37: {  	v0 =	vld.idx.msk [tilespmem:v0+s3+$0x0], $0xffff;
	_ =	sdelay $0x4  }
0x38: {  	[tilespmem:s22+$0xFFFFFF60] =	vst v0  }
0x39: {  	v0 =	vld [tilespmem:s24+$0xFFFFFFF0];
	_ =	sdelay $0x7  }
0x3a: {  	v0 =	vld.idx.msk [tilespmem:v0+s3+$0x0], $0xffff;
	_ =	sdelay $0x4  }
0x3b: {  	[tilespmem:s22+$0xFFFFFF70] =	vst v0  }
0x3c: {  	v0 =	vld [tilespmem:s24+$0x0];
	_ =	sdelay $0x7  }
0x3d: {  	v0 =	vld.idx.msk [tilespmem:v0+s3+$0x0], $0xffff;
	_ =	sdelay $0x4  }
0x3e: {  	[tilespmem:s22+$0x0] =	vst v0  }
0x3f: {  	v0 =	vld [tilespmem:s24+$0x10];
	_ =	sdelay $0x7  }
0x40: {  	v0 =	vld.idx.msk [tilespmem:v0+s3+$0x0], $0xffff;
	_ =	sdelay $0x4  }
0x41: {  	[tilespmem:s22+$0x10] =	vst v0  }
0x42: {  	v0 =	vld [tilespmem:s24+$0x20];
	_ =	sdelay $0x7  }
0x43: {  	v0 =	vld.idx.msk [tilespmem:v0+s3+$0x0], $0xffff;
	_ =	sdelay $0x4  }
0x44: {  	[tilespmem:s22+$0x20] =	vst v0  }
0x45: {  	v0 =	vld [tilespmem:s24+$0x30];
	_ =	sdelay $0x7  }
0x46: {  	v0 =	vld.idx.msk [tilespmem:v0+s3+$0x0], $0xffff;
	_ =	sdelay $0x4  }
0x47: {  	[tilespmem:s22+$0x30] =	vst v0  }
0x48: {  	v0 =	vld [tilespmem:s24+$0x40];
	_ =	sdelay $0x7  }
0x49: {  	v0 =	vld.idx.msk [tilespmem:v0+s3+$0x0], $0xffff;
	_ =	sdelay $0x4  }
0x4a: {  	[tilespmem:s22+$0x40] =	vst v0  }
0x4b: {  	v0 =	vld [tilespmem:s24+$0x50];
	_ =	sdelay $0x7  }
0x4c: {  	v0 =	vld.idx.msk [tilespmem:v0+s3+$0x0], $0xffff;
	_ =	sdelay $0x4  }
0x4d: {  	[tilespmem:s22+$0x50] =	vst v0  }
0x4e: {  	v0 =	vld [tilespmem:s24+$0x60];
	_ =	sdelay $0x7  }
0x4f: {  	v0 =	vld.idx.msk [tilespmem:v0+s3+$0x0], $0xffff;
	_ =	sdelay $0x4  }
0x50: {  	[tilespmem:s22+$0x60] =	vst v0  }
0x51: {  	v0 =	vld [tilespmem:s24+$0x70];
	_ =	sdelay $0x6  }
0x52: {  	s23 =	sadd.s32 $0x10, s23  }
0x53: {  	p2 =	slt.u32 s23, $0xF0;
	v0 =	vld.idx.msk [tilespmem:v0+s3+$0x0], $0xffff  }
.Ltmp0:
0x54: {  	_ = 	snop;
	(pc) =	sbr.rel @p2 .LBB2_4-.Ltmp0, $2  }
0x55: {  	_ =	sdelay $0x2  }
0x56: {  	s24 =	sadd.s32 $0x100, s24;
	[tilespmem:s22+$0x70] =	vst v0;
	s22 =	sadd.s32 $0x200, s22  }
0x57: {  	s22 =	sshll.u32 s18, $0xF  }
0x58: {  	s22 =	sadd.s32 s19, s22  }
0x59: {  	s22 =	sshrl.u32 s22, $0x3  }
0x5a: {  	s22 =	sadd.s32 s5, s22  }
0x5b: {  	s23 =	simm.s32 $0x80;
	s24 =	sadd.s32 $0x100, s21;
	s25 =	sadd.s32 $0x0, s22  }
.LBB2_6:
0x5c: {  	[hbm4b:s25+s3] =	stream.linear.scatter [tilespmem:s21], [sflag:$0x2], $0x80, $0x38;
	[tilespmem:$0x1E700] =	vst v63  }
0x5d: {  	s25 =	smov.u32 s23;
	s21 =	smov.u32 s24;
	p2 =	sne.s32 s23, $0xF80  }
.Ltmp1:
0x5e: {  	s23 =	sadd.s32 $0x80, s23;
	(pc) =	sbr.rel @p2 .LBB2_6-.Ltmp1, $2  }
0x5f: {  	_ =	sdelay $0x2  }
0x60: {  	s24 =	sadd.s32 $0x100, s24;
	s25 =	sadd.s32 s25, s22  }
0x61: {  	s18 =	sadd.s32 $0x1, s18  }
0x62: {  	p2 =	sne.s32 s18, $0x4  }
.Ltmp2:
0x63: {  	_ = 	snop;
	(pc) =	sbr.rel @p2 .LBB2_3-.Ltmp2, $3  }
0x64: {  	_ =	sdelay $0x1  }
0x65: {  	[hbm4b:s25+s3] =	stream.linear.scatter [tilespmem:s21], [sflag:$0x2], $0x80, $0x38;
	[tilespmem:$0x1E700] =	vst v63  }
0x66: {  	p0 =	por !p0, !p0;
	s20 =	sadd.s32 $0x1000, s20  }
0x67: {  	s17 =	sadd.s32 $0x1, s17  }
0x68: {  	p0 =	sne.s32 s17, $0xD  }
.Ltmp3:
0x69: {  	_ = 	snop;
	(pc) =	sbr.rel @p0 .LBB2_2-.Ltmp3, $1  }
0x6a: {  	_ =	sdelay $0x3  }
0x6b: {  	s16 =	sadd.s32 $0x1, s16  }
0x6c: {  	_ =	swait.ge [sflag:s15], $0x1000;
	p0 =	sne.s32 s16, s10  }
.Ltmp4:
0x6d: {  	[sflag:s15] =	ssyncset.done $0x0;
	(pc) =	sbr.rel @p0 .LBB2_1-.Ltmp4, $4  }
0x6e: {  	[sflag:s15] =	ssyncadd.s32 $0xFFFFF000  }
0x6f: {  	_ =	swait.ge [sflag:s15], $0x1000  }
0x70: {  	[sflag:s15] =	ssyncset.done $0x0  }
0x71: {  	[sflag:s15] =	ssyncadd.s32 $0xFFFFF000  }
0x72: {  	_ =	sfence.sel $0x180000  }
0x73: {  	[bflag:$0x0] =	sbarrier.arrive $0xFFFF  }
0x74: {  	p0 =	sne.s32 s4, $0x0;
	_ =	strace $0x90000047  }
0x75: {  	s0 =	sadd.s32 @!p0 $0x100000, s0;
	[bflag:$0x2] =	sbarrier.arrive $0xFFFF  }
0x76: {  	[sflag:s0] =	ssyncadd.tile.s32 @!p0 $0x1;
	_ =	shalt  }
.Lfunc_end2:
_tile_overlayer_lowered:
.L_overlay_start_2:
0x77: {  	(tag) =	ssettag $0x2  }
0x78: {  	s0 =	rddreg [dreg:$0x0];
	s2 =	stileid.u32  }
0x79: {  	s1 =	rddreg [dreg:$0x1];
	p0 =	sne.s32 s2, $0x0  }
0x7a: {  	s3 =	rddreg [dreg:$0x2];
	[bflag:$0x3] =	sbarrier.arrive $0xFFFF;
	s2 =	simm.s32 @!p0 $0x1C03  }
0x7b: {  	[timem:s3], [sflag:s2] =	dma.local @!p0 [hbm:s0], s1  }
0x7c: {  	s0 =	simm.s32 @!p0 $0x3  }
0x7d: {  	_ =	swait.ge @!p0 [sflag:s0], s1  }
0x7e: {  	s1 =	ssub.s32 @!p0 $0x0, s1;
	[sflag:s0] =	ssyncset.done @!p0 $0x0  }
0x7f: {  	[sflag:s0] =	ssyncadd.s32 @!p0 s1  }
0x80: {  	[bflag:$0x3] =	sbarrier.arrive $0xFFFF  }
0x81: {  	_ =	shalt  }

// kernel: kernel.8.cloned.1.call-start
scs
__scs_entry_jumppad:
0x0: {  	(pc) =	sbr.rel $0x88, $3  }
0x1: {  	(tag) =	ssettag $0x0;
	lr =	simm.s32 $0x1  }
0x2: {  	[smem:$0x3F98] =	sst lr;
	_ =	strace $0xD0000000  }
0x3: {  	_ = 	snop  }
0x4: {  	_ = 	snop  }
0x5: {  	_ = 	snop  }
0x6: {  	_ = 	snop  }
0x7: {  	_ = 	snop  }
__scs_overlays_trampoline_lowered:
0x8: {  	[smem:$0x3FA7] =	sst s0  }
0x9: {  	[smem:$0x3FA8] =	sst s1  }
0xa: {  	[smem:$0x3FA9] =	sst s2  }
0xb: {  	[smem:$0x3FAA] =	sst s3  }
0xc: {  	[smem:$0x3FAB] =	sst s4  }
0xd: {  	[smem:$0x3FAC] =	sst s5  }
0xe: {  	[smem:$0x3FAD] =	sst s6  }
0xf: {  	[smem:$0x3FAE] =	sst s7  }
0x10: {  	[smem:$0x3FAF] =	sst s8  }
0x11: {  	[smem:$0x3FB0] =	sst s9;
	s0 =	simm.s32 @!p0 $0x0  }
0x12: {  	s1 =	sld [smem:$0x3F96];
	s0 =	simm.s32 @p0 $0x1  }
0x13: {  	[smem:$0x3FB1] =	sst s0;
	s0 =	simm.s32 @!p1 $0x0  }
0x14: {  	s2 =	sld [smem:$0x3F95];
	s0 =	simm.s32 @p1 $0x1  }
0x15: {  	[smem:$0x3FB2] =	sst s0;
	s0 =	simm.s32 @!p2 $0x0  }
0x16: {  	s3 =	sld [smem:$0x3FDB];
	s0 =	simm.s32 @p2 $0x1  }
0x17: {  	s4 =	simm.s32 $0x1BF5;
	[smem:$0x3FB4] =	sst s0  }
0x18: {  	s0 =	sld [smem:$0x3F97];
	_ =	swait.ge [sflag:s4], $0x0  }
0x19: {  	s7 =	sld [smem:$0x3F98]  }
0x1a: {  	s8 =	sadd.s32 $0xFFFFE003, lr  }
0x1b: {  	s9 =	sadd.s32 $0xFFFFFEF7, lr;
	s5 =	simm.s32 $0xFFFFFFFF;
	p2 =	slt.u32 s8, $0xFFFFF086  }
0x1c: {  	p1 =	slt.u32 s9, $0xF7A;
	s5 =	simm.s32 @!p2 $0x0  }
0x1d: {  	s5 =	simm.s32 @p1 $0x1;
	p0 =	seq.s32 s7, s2  }
0x1e: {  	s7 =	smul.u32 @!p0 $0xF7A, s2;
	p2 =	seq.s32 @!p0 s5, $0x0  }
0x1f: {  	s9 =	smul.u32 $0xF7A, s1;
	s8 =	simm.s32 @!p0 $0x1BF5;
	p2 =	por !p2, p0  }
0x20: {  	[sflag:s8] =	ssyncset.s32 @!p0 $0xFFFFF086;
	s6 =	sadd.s32 @!p0 s3, s7;
	s7 =	simm.s32 @!p0 $0x108  }
0x21: {  	s3 =	sadd.s32 s3, s9;
	s6 =	sadd.s32 @!p0 $0x88, s6;
	s7 =	simm.s32 @p2 $0x1082  }
0x22: {  	[simem:s7], [sflag:s8] =	dma.local @!p0 [hbm:s6], $0xF7A  }
0x23: {  	s9 =	sor.u32 $0xD0000000, s2;
	s6 =	simm.s32 $0x108;
	_ =	swait.ge @!p0 [sflag:s8], $0x0  }
0x24: {  	s3 =	sadd.s32 $0x88, s3;
	s6 =	simm.s32 @!p1 $0x1082;
	[sflag:s4] =	ssyncset.s32 $0xFFFFF086  }
0x25: {  	[simem:s6], [sflag:s4] =	dma.local [hbm:s3], $0xF7A  }
0x26: {  	[smem:$0x3F98] =	sst s1;
	(tag) =	ssettag s2;
	_ =	strace s9  }
0x27: {  	s1 =	sld [smem:$0x3FA8]  }
0x28: {  	s2 =	sld [smem:$0x3FA9]  }
0x29: {  	s4 =	sld [smem:$0x3FAB]  }
0x2a: {  	p0 =	seq.s32 s5, $0x0;
	s5 =	sld [smem:$0x3FAC]  }
0x2b: {  	s6 =	sld [smem:$0x3FAD]  }
0x2c: {  	s7 =	sld [smem:$0x3FAE]  }
0x2d: {  	s3 =	simm.s32 $0x108;
	s8 =	sld [smem:$0x3FAF]  }
0x2e: {  	s3 =	simm.s32 @!p0 $0x1082;
	s9 =	sld [smem:$0x3FB0]  }
0x2f: {  	lr =	sadd.s32 s0, s3;
	s0 =	sld [smem:$0x3FA7]  }
0x30: {  	s3 =	sld [smem:$0x3FAA]  }
0x31: {  	[smem:$0x3FB3] =	sst s10  }
0x32: {  	s10 =	sld [smem:$0x3FB1];
	_ =	sdelay $0x3  }
0x33: {  	p0 =	seq.s32 s10, $0x1;
	s10 =	sld [smem:$0x3FB3];
	_ =	sdelay $0x3  }
0x34: {  	[smem:$0x3FB3] =	sst s10  }
0x35: {  	s10 =	sld [smem:$0x3FB2];
	_ =	sdelay $0x3  }
0x36: {  	p1 =	seq.s32 s10, $0x1;
	s10 =	sld [smem:$0x3FB3];
	_ =	sdelay $0x3  }
0x37: {  	[smem:$0x3FB3] =	sst s10  }
0x38: {  	s10 =	sld [smem:$0x3FB4]  }
0x39: {  	_ = 	snop;
	(pc) =	sbr.ind lr, $3  }
0x3a: {  	_ = 	snop  }
0x3b: {  	_ = 	snop  }
0x3c: {  	p2 =	seq.s32 s10, $0x1;
	s10 =	sld [smem:$0x3FB3]  }
0x3d: {  	_ =	shalt  }
0x3e: {  	_ =	shalt  }
0x3f: {  	_ =	shalt  }
0x40: {  	_ =	shalt  }
0x41: {  	_ =	shalt  }
0x42: {  	_ =	shalt  }
0x43: {  	_ =	shalt  }
0x44: {  	_ =	shalt  }
0x45: {  	_ =	shalt  }
0x46: {  	_ =	shalt  }
0x47: {  	_ =	shalt  }
0x48: {  	_ =	shalt  }
0x49: {  	_ =	shalt  }
0x4a: {  	_ =	shalt  }
0x4b: {  	_ =	shalt  }
0x4c: {  	_ =	shalt  }
0x4d: {  	_ =	shalt  }
0x4e: {  	_ =	shalt  }
0x4f: {  	_ =	shalt  }
0x50: {  	_ =	shalt  }
0x51: {  	_ =	shalt  }
0x52: {  	_ =	shalt  }
0x53: {  	_ =	shalt  }
0x54: {  	_ =	shalt  }
0x55: {  	_ =	shalt  }
0x56: {  	_ =	shalt  }
0x57: {  	_ =	shalt  }
0x58: {  	_ =	shalt  }
0x59: {  	_ =	shalt  }
0x5a: {  	_ =	shalt  }
0x5b: {  	_ =	shalt  }
0x5c: {  	_ =	shalt  }
0x5d: {  	_ =	shalt  }
0x5e: {  	_ =	shalt  }
0x5f: {  	_ =	shalt  }
0x60: {  	_ =	shalt  }
0x61: {  	_ =	shalt  }
0x62: {  	_ =	shalt  }
0x63: {  	_ =	shalt  }
0x64: {  	_ =	shalt  }
0x65: {  	_ =	shalt  }
0x66: {  	_ =	shalt  }
0x67: {  	_ =	shalt  }
0x68: {  	_ =	shalt  }
0x69: {  	_ =	shalt  }
0x6a: {  	_ =	shalt  }
0x6b: {  	_ =	shalt  }
0x6c: {  	_ =	shalt  }
0x6d: {  	_ =	shalt  }
0x6e: {  	_ =	shalt  }
0x6f: {  	_ =	shalt  }
0x70: {  	_ =	shalt  }
0x71: {  	_ =	shalt  }
0x72: {  	_ =	shalt  }
0x73: {  	_ =	shalt  }
0x74: {  	_ =	shalt  }
0x75: {  	_ =	shalt  }
0x76: {  	_ =	shalt  }
0x77: {  	_ =	shalt  }
0x78: {  	_ =	shalt  }
0x79: {  	_ =	shalt  }
0x7a: {  	_ =	shalt  }
0x7b: {  	_ =	shalt  }
0x7c: {  	_ =	shalt  }
0x7d: {  	_ =	shalt  }
0x7e: {  	_ =	shalt  }
0x7f: {  	_ =	shalt  }
0x80: {  	_ =	shalt  }
0x81: {  	_ =	shalt  }
0x82: {  	_ =	shalt  }
0x83: {  	_ =	shalt  }
0x84: {  	_ =	shalt  }
0x85: {  	_ =	shalt  }
0x86: {  	_ =	shalt  }
0x87: {  	_ =	shalt  }
.Lfunc_end0:
.L_simem_size_0:
called_computation.1_lowered:
.L_overlay_start_0:
0x88: {  	s2 =	sld [smem:$0x3FD9]  }
0x89: {  	s3 =	sld [smem:$0x3FFE];
	_ =	sdelay $0x1  }
0x8a: {  	s1 =	srdreg.scid  }
0x8b: {  	s0 =	sand.u32 $0x1, s1  }
0x8c: {  	s17 =	sshll.u32 s0, $0xA;
	s2 =	sadd.s32 s3, s2  }
0x8d: {  	s2 =	sadd.s32 s2, s17  }
0x8e: {  	[smem:$0x3FBF] =	sst s2  }
0x8f: {  	_ = 	snop  }
0x90: {  	s18 =	sld [smem:$0x3FC8]  }
0x91: {  	s4 =	sld [smem:$0x3FC5];
	(tm) =	ssettm $0x1  }
0x92: {  	s19 =	sld [smem:$0x3FFB];
	_ =	sdelay $0x3  }
0x93: {  	_ =	strace s19  }
0x94: {  	s2 =	sld [smem:$0x3FFC];
	_ =	sdelay $0x3  }
0x95: {  	_ =	strace s2  }
0x96: {  	s2 =	sld [smem:$0x3FFD];
	_ =	sdelay $0x3  }
0x97: {  	_ =	strace s2  }
0x98: {  	_ =	strace $0x8FFFFFFF  }
0x99: {  	s20 =	sld [smem:$0x3FDB];
	_ =	sdelay $0x1  }
0x9a: {  	s5 =	simm.s32 $_scs_section_size  }
0x9b: {  	s6 =	simm.s32 $_size__tile_overlayer_lowered;
	s7 =	simm.s32 $_tile_overlayer_lowered  }
0x9c: {  	s8 =	simm.s32 $0x1BFF;
	s21 =	sshll.u32 s7, $0x1;
	s5 =	sadd.s32 s5, s20  }
0x9d: {  	s22 =	simm.s32 $0x0;
	s6 =	sshll.u32 s6, $0x1;
	s7 =	sadd.s32 s21, s5  }
0x9e: {  	[timem:s22], [sflag:s8] =	dma.local [hbm:s7], s6  }
0x9f: {  	_ =	swait.ge [sflag:s8], s6  }
0xa0: {  	s6 =	ssub.s32 $0x0, s6;
	[sflag:s8] =	ssyncset.done $0x0  }
0xa1: {  	[sflag:s8] =	ssyncadd.s32 s6;
	_ =	sdelay $0x1  }
0xa2: {  	s23 =	simm.s32 $0x1B8B  }
0xa3: {  	_ =	swait.ge [sflag:s23], $0x1  }
0xa4: {  	[sflag:s23] =	ssyncset.done $0x0  }
0xa5: {  	[sflag:s23] =	ssyncadd.s32 $0xFFFFFFFF  }
0xa6: {  	s6 =	sld [smem:$0x0]  }
0xa7: {  	s7 =	sand.u32 $0xFFFFFFFE, s1  }
0xa8: {  	p0 =	sne.s32 s1, s7  }
0xa9: {  	s7 =	sshll.u32 @p0 s7, $0xE  }
0xaa: {  	s7 =	sadd.s32 @p0 $0x11B8D, s7;
	s8 =	sshll.u32 @p0 s6, $0x11  }
0xab: {  	s7 =	sor.u32 @p0 s8, s7  }
0xac: {  	[sflag:s7] =	ssyncadd.remote.s32 @p0 $0x1;
	_ =	sdelay $0x1  }
0xad: {  	s7 =	simm.s32 @p0 $0x1B8D  }
0xae: {  	_ =	swait.eq @p0 [sflag:s7], $0x1  }
0xaf: {  	[sflag:s7] =	ssyncadd.s32 @p0 $0xFFFFFFFF  }
0xb0: {  	s8 =	sshll.u32 @!p0 s1, $0xE  }
0xb1: {  	s8 =	sor.u32 @!p0 $0x4000, s8;
	s7 =	simm.s32 @!p0 $0x1B8D  }
0xb2: {  	s6 =	sshll.u32 @!p0 s6, $0x11;
	s8 =	sadd.s32 @!p0 $0x11B8D, s8;
	_ =	swait.eq @!p0 [sflag:s7], $0x1  }
0xb3: {  	s6 =	sor.u32 @!p0 s6, s8;
	[sflag:s7] =	ssyncadd.s32 @!p0 $0xFFFFFFFF  }
0xb4: {  	s25 =	simm.s32 $0x1B8E;
	s24 =	sld [smem:$0x3FFE];
	[sflag:s6] =	ssyncadd.remote.s32 @!p0 $0x1  }
0xb5: {  	s26 =	simm.s32 $execute0_lowered;
	[smem:$0x3FD2] =	sst s25  }
0xb6: {  	s7 =	sshll.u32 s26, $0x1;
	_ =	strace $0x80000049;
	[dreg:$0x1] =	wrdreg $0xFFFFFFFF  }
0xb7: {  	s28 =	simm.s32 $_size_execute0_lowered;
	s5 =	sadd.s32 s5, s7;
	[dreg:$0x0] =	wrdreg $0x0  }
0xb8: {  	s7 =	sshll.u32 s28, $0x1;
	[dreg:$0x2] =	wrdreg s5  }
0xb9: {  	[dreg:$0x3] =	wrdreg s7  }
0xba: {  	[dreg:$0x4] =	wrdreg $0xC0  }
0xbb: {  	_ =	task [dreg:s22], $0x5FFFF  }
0xbc: {  	[dreg:$0x1] =	wrdreg $0xFFFFFFFF  }
0xbd: {  	[dreg:$0x0] =	wrdreg $0x60  }
0xbe: {  	[dreg:$0x2] =	wrdreg s18  }
0xbf: {  	[dreg:$0x3] =	wrdreg s4  }
0xc0: {  	[dreg:$0x4] =	wrdreg s24  }
0xc1: {  	[dreg:$0x5] =	wrdreg $0xA  }
0xc2: {  	_ =	task.clear_ibuf [dreg:s22], $0x6FFFF;
	_ =	strace $0x90000049  }
0xc3: {  	s29 =	simm.s32 $0xA;
	_ =	strace $0x8000004B  }
0xc4: {  	_ =	swait.ge [sflag:s29], $0x1  }
0xc5: {  	[sflag:s29] =	ssyncadd.s32 $0xFFFFFFFF  }
0xc6: {  	_ =	strace $0x9000004B  }
0xc7: {  	_ =	sfence  }
0xc8: {  	s30 =	sld [smem:$0x0];
	_ =	sdelay $0x2  }
0xc9: {  	s31 =	sshll.u32 s1, $0xD;
	s1 =	sshrl.u32 s1, $0x2  }
0xca: {  	s4 =	sand.u32 $0x4000, s31;
	s1 =	sadd.s32 s1, s30  }
0xcb: {  	s0 =	sor.u32 s4, s0;
	s1 =	sshll.u32 s1, $0x11  }
0xcc: {  	s0 =	sor.u32 s1, s0  }
0xcd: {  	s0 =	sadd.s32 $0x8F2B, s0  }
0xce: {  	[sflag:s0] =	ssyncadd.remote.s32 $0x1  }
0xcf: {  	_ =	sfence.sel $0xFFFF  }
0xd0: {  	[dreg:$0x0] =	wrdreg $0xFFFFFFFF;
	(pc) =	sbr.abs _section_cstart, $3  }
0xd1: {  	[dreg:$0x1] =	wrdreg $0xFFFFFFFF  }
0xd2: {  	_ =	task.clear_ibuf [dreg:s22], $0x2FFFF;
	_ =	strace $0x9FFFFFFF  }
0xd3: {  	(tm) =	ssettm $0x7FFFFFFF  }
tec
execute0_lowered:
.L_overlay_start_1:
0x0: {  	(tag) =	ssettag $0x1  }
0x1: {  	s1 =	rddreg [dreg:$0x0]  }
0x2: {  	s2 =	rddreg [dreg:$0x1]  }
0x3: {  	s5 =	rddreg [dreg:$0x2]  }
0x4: {  	s0 =	rddreg [dreg:$0x3];
	s3 =	simm.s32 $0x0  }
0x5: {  	s4 =	srdreg.scid;
	s15 =	simm.s32 $0x2;
	s16 =	simm.s32 $0x0  }
0x6: {  	[smem:$0x7FF] =	sst s3;
	s6 =	sand.u32 $0x1, s4;
	s4 =	stileid.u32  }
0x7: {  	s5 =	sadd.s32 $0xD1000, s5;
	_ =	strace $0x8000004A;
	s7 =	ssub.s32 $0x2, s6  }
0x8: {  	s9 =	sshrl.u32 s4, $0x2;
	s10 =	sshrl.u32 s4, $0x3;
	s11 =	sshll.u32 s4, $0x8  }
0x9: {  	s12 =	sshll.u32 s6, $0x7;
	s9 =	sand.u32 $0x1, s9;
	s6 =	smul.u32 $0xD, s10  }
0xa: {  	s8 =	sshrl.u32 s7, $0x1;
	s11 =	sand.u32 $0x300, s11;
	s13 =	smul.u32 $0xC3800, s9  }
0xb: {  	s14 =	ssub.s32 s7, s8;
	s7 =	sor.u32 s12, s11;
	s9 =	sshll.u32 s9, $0x11  }
0xc: {  	s11 =	simm.s32 $0x80;
	s12 =	simm.s32 $0x400;
	s10 =	smax.u32 s14, $0x1  }
0xd: {  	s14 =	simm.s32 $0x1;
	s8 =	sor.u32 s7, s13;
	s13 =	simm.s32 $0x18700  }
.LBB2_1:
0xe: {  	s17 =	simm.s32 $0x0  }
.LBB2_2:
0xf: {  	s19 =	sadd.s32 s6, s17  }
0x10: {  	s18 =	smul.u32 $0x187000, s19;
	_ =	sdelay $0x1  }
0x11: {  	s18 =	sadd.s32 s8, s18  }
0x12: {  	s18 =	sshrl.u32 s18, $0x3  }
0x13: {  	s31 =	sshll.u32 s19, $0x4;
	s20 =	sadd.s32 s2, s18;
	s18 =	simm.s32 $0x0  }
0x14: {  	[tilespmem:s18], [sflag:$0x1] =	stream.strided.gather [hbm4b:s20+s11], $0x18700, s12, s11, $0x38;
	[tilespmem:$0x1E700] =	vst v63  }
0x15: {  	s21 =	sshll.u32 s19, $0xB;
	s20 =	sand.u32 $0x70, s31  }
0x16: {  	s21 =	sand.u32 $0xC000, s21;
	s20 =	sadd.s32 s1, s20  }
0x17: {  	s20 =	sadd.s32 s21, s20  }
0x18: {  	[tilespmem:s13], [sflag:$0x1] =	stream.strided.gather [hbm4b:s20+s11], $0x4000, s12, s11, $0x38;
	[tilespmem:$0x1E700] =	vst v63  }
0x19: {  	_ =	swait.ge [sflag:s14], $0x18700  }
0x1a: {  	[sflag:s14] =	ssyncset.done $0x0  }
0x1b: {  	[sflag:s14] =	ssyncadd.s32 $0xFFFE7900  }
0x1c: {  	p0 =	por $0x0, $0x0;
	s19 =	sshll.u32 s19, $0x12;
	_ =	swait.ge [sflag:s14], $0x4000  }
0x1d: {  	p1 =	sne.s32 s17, $0x0;
	s19 =	sor.u32 s19, s9;
	[sflag:s14] =	ssyncset.done $0x0  }
0x1e: {  	s19 =	sor.u32 s7, s19;
	s20 =	simm.s32 $0x18780;
	[sflag:s14] =	ssyncadd.s32 $0xFFFFC000  }
.LBB2_3:
0x1f: {  	p2 =	slt.u32 @!p1 s18, $0x2  }
0x20: {  	s21 =	simm.s32 $0x1;
	p2 =	por p1, !p2  }
0x21: {  	s23 =	simm.s32 $0xFFFFFFF0;
	s21 =	simm.s32 @!p0 $0x0;
	_ =	swait.ge @p2 [sflag:s15], $0x1000  }
0x22: {  	s24 =	smov.u32 s20;
	s22 =	sshll.u32 s21, $0x7;
	[sflag:s15] =	ssyncset.done @p2 $0x0  }
0x23: {  	s21 =	sor.u32 $0x1C700, s22;
	s22 =	sor.u32 $0x1C800, s22;
	[sflag:s15] =	ssyncadd.s32 @p2 $0xFFFFF000  }
.LBB2_4:
0x24: {  	v0 =	vld [tilespmem:s24+$0xFFFFFF80];
	_ =	sdelay $0x7  }
0x25: {  	v0 =	vld.idx.msk [tilespmem:v0+s3+$0x0], $0xffff;
	_ =	sdelay $0x4  }
0x26: {  	[tilespmem:s22+$0xFFFFFF00] =	vst v0  }
0x27: {  	v0 =	vld [tilespmem:s24+$0xFFFFFF90];
	_ =	sdelay $0x7  }
0x28: {  	v0 =	vld.idx.msk [tilespmem:v0+s3+$0x0], $0xffff;
	_ =	sdelay $0x4  }
0x29: {  	[tilespmem:s22+$0xFFFFFF10] =	vst v0  }
0x2a: {  	v0 =	vld [tilespmem:s24+$0xFFFFFFA0];
	_ =	sdelay $0x7  }
0x2b: {  	v0 =	vld.idx.msk [tilespmem:v0+s3+$0x0], $0xffff;
	_ =	sdelay $0x4  }
0x2c: {  	[tilespmem:s22+$0xFFFFFF20] =	vst v0  }
0x2d: {  	v0 =	vld [tilespmem:s24+$0xFFFFFFB0];
	_ =	sdelay $0x7  }
0x2e: {  	v0 =	vld.idx.msk [tilespmem:v0+s3+$0x0], $0xffff;
	_ =	sdelay $0x4  }
0x2f: {  	[tilespmem:s22+$0xFFFFFF30] =	vst v0  }
0x30: {  	v0 =	vld [tilespmem:s24+$0xFFFFFFC0];
	_ =	sdelay $0x7  }
0x31: {  	v0 =	vld.idx.msk [tilespmem:v0+s3+$0x0], $0xffff;
	_ =	sdelay $0x4  }
0x32: {  	[tilespmem:s22+$0xFFFFFF40] =	vst v0  }
0x33: {  	v0 =	vld [tilespmem:s24+$0xFFFFFFD0];
	_ =	sdelay $0x7  }
0x34: {  	v0 =	vld.idx.msk [tilespmem:v0+s3+$0x0], $0xffff;
	_ =	sdelay $0x4  }
0x35: {  	[tilespmem:s22+$0xFFFFFF50] =	vst v0  }
0x36: {  	v0 =	vld [tilespmem:s24+$0xFFFFFFE0];
	_ =	sdelay $0x7  }
0x37: {  	v0 =	vld.idx.msk [tilespmem:v0+s3+$0x0], $0xffff;
	_ =	sdelay $0x4  }
0x38: {  	[tilespmem:s22+$0xFFFFFF60] =	vst v0  }
0x39: {  	v0 =	vld [tilespmem:s24+$0xFFFFFFF0];
	_ =	sdelay $0x7  }
0x3a: {  	v0 =	vld.idx.msk [tilespmem:v0+s3+$0x0], $0xffff;
	_ =	sdelay $0x4  }
0x3b: {  	[tilespmem:s22+$0xFFFFFF70] =	vst v0  }
0x3c: {  	v0 =	vld [tilespmem:s24+$0x0];
	_ =	sdelay $0x7  }
0x3d: {  	v0 =	vld.idx.msk [tilespmem:v0+s3+$0x0], $0xffff;
	_ =	sdelay $0x4  }
0x3e: {  	[tilespmem:s22+$0x0] =	vst v0  }
0x3f: {  	v0 =	vld [tilespmem:s24+$0x10];
	_ =	sdelay $0x7  }
0x40: {  	v0 =	vld.idx.msk [tilespmem:v0+s3+$0x0], $0xffff;
	_ =	sdelay $0x4  }
0x41: {  	[tilespmem:s22+$0x10] =	vst v0  }
0x42: {  	v0 =	vld [tilespmem:s24+$0x20];
	_ =	sdelay $0x7  }
0x43: {  	v0 =	vld.idx.msk [tilespmem:v0+s3+$0x0], $0xffff;
	_ =	sdelay $0x4  }
0x44: {  	[tilespmem:s22+$0x20] =	vst v0  }
0x45: {  	v0 =	vld [tilespmem:s24+$0x30];
	_ =	sdelay $0x7  }
0x46: {  	v0 =	vld.idx.msk [tilespmem:v0+s3+$0x0], $0xffff;
	_ =	sdelay $0x4  }
0x47: {  	[tilespmem:s22+$0x30] =	vst v0  }
0x48: {  	v0 =	vld [tilespmem:s24+$0x40];
	_ =	sdelay $0x7  }
0x49: {  	v0 =	vld.idx.msk [tilespmem:v0+s3+$0x0], $0xffff;
	_ =	sdelay $0x4  }
0x4a: {  	[tilespmem:s22+$0x40] =	vst v0  }
0x4b: {  	v0 =	vld [tilespmem:s24+$0x50];
	_ =	sdelay $0x7  }
0x4c: {  	v0 =	vld.idx.msk [tilespmem:v0+s3+$0x0], $0xffff;
	_ =	sdelay $0x4  }
0x4d: {  	[tilespmem:s22+$0x50] =	vst v0  }
0x4e: {  	v0 =	vld [tilespmem:s24+$0x60];
	_ =	sdelay $0x7  }
0x4f: {  	v0 =	vld.idx.msk [tilespmem:v0+s3+$0x0], $0xffff;
	_ =	sdelay $0x4  }
0x50: {  	[tilespmem:s22+$0x60] =	vst v0  }
0x51: {  	v0 =	vld [tilespmem:s24+$0x70];
	_ =	sdelay $0x6  }
0x52: {  	s23 =	sadd.s32 $0x10, s23  }
0x53: {  	p2 =	slt.u32 s23, $0xF0;
	v0 =	vld.idx.msk [tilespmem:v0+s3+$0x0], $0xffff  }
.Ltmp0:
0x54: {  	_ = 	snop;
	(pc) =	sbr.rel @p2 .LBB2_4-.Ltmp0, $2  }
0x55: {  	_ =	sdelay $0x2  }
0x56: {  	s24 =	sadd.s32 $0x100, s24;
	[tilespmem:s22+$0x70] =	vst v0;
	s22 =	sadd.s32 $0x200, s22  }
0x57: {  	s22 =	sshll.u32 s18, $0xF  }
0x58: {  	s22 =	sadd.s32 s19, s22  }
0x59: {  	s22 =	sshrl.u32 s22, $0x3  }
0x5a: {  	s22 =	sadd.s32 s5, s22  }
0x5b: {  	s23 =	simm.s32 $0x80;
	s24 =	sadd.s32 $0x100, s21;
	s25 =	sadd.s32 $0x0, s22  }
.LBB2_6:
0x5c: {  	[hbm4b:s25+s3] =	stream.linear.scatter [tilespmem:s21], [sflag:$0x2], $0x80, $0x38;
	[tilespmem:$0x1E700] =	vst v63  }
0x5d: {  	s25 =	smov.u32 s23;
	s21 =	smov.u32 s24;
	p2 =	sne.s32 s23, $0xF80  }
.Ltmp1:
0x5e: {  	s23 =	sadd.s32 $0x80, s23;
	(pc) =	sbr.rel @p2 .LBB2_6-.Ltmp1, $2  }
0x5f: {  	_ =	sdelay $0x2  }
0x60: {  	s24 =	sadd.s32 $0x100, s24;
	s25 =	sadd.s32 s25, s22  }
0x61: {  	s18 =	sadd.s32 $0x1, s18  }
0x62: {  	p2 =	sne.s32 s18, $0x4  }
.Ltmp2:
0x63: {  	_ = 	snop;
	(pc) =	sbr.rel @p2 .LBB2_3-.Ltmp2, $3  }
0x64: {  	_ =	sdelay $0x1  }
0x65: {  	[hbm4b:s25+s3] =	stream.linear.scatter [tilespmem:s21], [sflag:$0x2], $0x80, $0x38;
	[tilespmem:$0x1E700] =	vst v63  }
0x66: {  	p0 =	por !p0, !p0;
	s20 =	sadd.s32 $0x1000, s20  }
0x67: {  	s17 =	sadd.s32 $0x1, s17  }
0x68: {  	p0 =	sne.s32 s17, $0xD  }
.Ltmp3:
0x69: {  	_ = 	snop;
	(pc) =	sbr.rel @p0 .LBB2_2-.Ltmp3, $1  }
0x6a: {  	_ =	sdelay $0x3  }
0x6b: {  	s16 =	sadd.s32 $0x1, s16  }
0x6c: {  	_ =	swait.ge [sflag:s15], $0x1000;
	p0 =	sne.s32 s16, s10  }
.Ltmp4:
0x6d: {  	[sflag:s15] =	ssyncset.done $0x0;
	(pc) =	sbr.rel @p0 .LBB2_1-.Ltmp4, $4  }
0x6e: {  	[sflag:s15] =	ssyncadd.s32 $0xFFFFF000  }
0x6f: {  	_ =	swait.ge [sflag:s15], $0x1000  }
0x70: {  	[sflag:s15] =	ssyncset.done $0x0  }
0x71: {  	[sflag:s15] =	ssyncadd.s32 $0xFFFFF000  }
0x72: {  	_ =	sfence.sel $0x180000  }
0x73: {  	[bflag:$0x0] =	sbarrier.arrive $0xFFFF  }
0x74: {  	p0 =	sne.s32 s4, $0x0;
	_ =	strace $0x9000004A  }
0x75: {  	s0 =	sadd.s32 @!p0 $0x100000, s0;
	[bflag:$0x2] =	sbarrier.arrive $0xFFFF  }
0x76: {  	[sflag:s0] =	ssyncadd.tile.s32 @!p0 $0x1;
	_ =	shalt  }
.Lfunc_end2:
_tile_overlayer_lowered:
.L_overlay_start_2:
0x77: {  	(tag) =	ssettag $0x2  }
0x78: {  	s0 =	rddreg [dreg:$0x0];
	s2 =	stileid.u32  }
0x79: {  	s1 =	rddreg [dreg:$0x1];
	p0 =	sne.s32 s2, $0x0  }
0x7a: {  	s3 =	rddreg [dreg:$0x2];
	[bflag:$0x3] =	sbarrier.arrive $0xFFFF;
	s2 =	simm.s32 @!p0 $0x1C03  }
0x7b: {  	[timem:s3], [sflag:s2] =	dma.local @!p0 [hbm:s0], s1  }
0x7c: {  	s0 =	simm.s32 @!p0 $0x3  }
0x7d: {  	_ =	swait.ge @!p0 [sflag:s0], s1  }
0x7e: {  	s1 =	ssub.s32 @!p0 $0x0, s1;
	[sflag:s0] =	ssyncset.done @!p0 $0x0  }
0x7f: {  	[sflag:s0] =	ssyncadd.s32 @!p0 s1  }
0x80: {  	[bflag:$0x3] =	sbarrier.arrive $0xFFFF  }
0x81: {  	_ =	shalt  }

</sc_bundles>
